<compile_context>
chip_gen: v7x
topology: tpu7x:2x2x1
jax: 0.10.2.dev20260603
libtpu: 0.0.44.dev20260713+nightly
codegen_flags: <defaults>
</compile_context>

<pallas_src>
import jax
import jax.numpy as jnp
from jax import lax
from jax.experimental import pallas as pl
from jax.experimental.pallas import tpu as pltpu
from jax.experimental.pallas import tpu_sc as plsc

N = 10000
E = 320000
D_IN = 128
D_HID = 64

NC = 2
NS = 16
NW = NC * NS
L = 16

NPAD = 10240
DPT = D_HID // NS
NPK = DPT // 2
EPT = E // NW
EHALF = E // NC
CHUNK = 3200

_mesh = lambda: plsc.VectorSubcoreMesh(core_axis_name="c", subcore_axis_name="s")


def _zero_vmem(ref, total):
    z = jnp.zeros((L,), jnp.float32)

    def body(i, _):
        ref[pl.ds(i * L, L)] = z
        return 0

    lax.fori_loop(0, total // L, body, 0)


def _zero_vmem2(ref, rows, cols):
    z = jnp.zeros((L,), jnp.float32)

    def body(i, _):
        for j in range(rows):
            ref[j, pl.ds(i * L, L)] = z
        return 0

    lax.fori_loop(0, cols // L, body, 0)


def _sc_deg_body(col_hbm, ew_hbm, degp_hbm, cbuf, wbuf, acc, sem):
    cid = lax.axis_index("c")
    sid = lax.axis_index("s")
    wid = cid * NS + sid
    pltpu.async_copy(col_hbm.at[pl.ds(wid * EPT, EPT)], cbuf, sem)
    pltpu.async_copy(ew_hbm.at[pl.ds(wid * EPT, EPT)], wbuf, sem)
    _zero_vmem(acc, NPAD)
    pltpu.make_async_copy(col_hbm.at[pl.ds(0, EPT)], cbuf, sem).wait()
    pltpu.make_async_copy(ew_hbm.at[pl.ds(0, EPT)], wbuf, sem).wait()

    @plsc.parallel_loop(0, EPT, step=L, unroll=4)
    def body(i):
        c = cbuf[pl.ds(i, L)]
        w = wbuf[pl.ds(i, L)]
        plsc.addupdate_scatter(acc, [c], w)

    pltpu.sync_copy(acc, degp_hbm.at[wid])


def _sc_deg(col, ew):
    k = pl.kernel(
        _sc_deg_body,
        out_type=jax.ShapeDtypeStruct((NW, NPAD), jnp.float32),
        mesh=_mesh(),
        compiler_params=pltpu.CompilerParams(needs_layout_passes=False),
        scratch_types=[
            pltpu.VMEM((EPT,), jnp.int32),
            pltpu.VMEM((EPT,), jnp.float32),
            pltpu.VMEM((NPAD,), jnp.float32),
            pltpu.SemaphoreType.DMA,
        ],
    )
    return k(col, ew)


def _tc1_body(x_ref, w1_ref, degp_ref, xwT_ref, xwp_ref, dis_ref):
    xb = x_ref[...]
    w = w1_ref[...]
    mm = lax.dot_general(
        w, xb, (((0,), (1,)), ((), ())), preferred_element_type=jnp.float32
    )
    deg = jnp.sum(degp_ref[...], axis=0) + 1.0
    dis = lax.rsqrt(deg)
    dis_ref[...] = dis
    xwT = mm * dis[None, :]
    xwT_ref[...] = xwT
    bf = lax.convert_element_type(xwT, jnp.bfloat16)
    bits = lax.convert_element_type(
        lax.bitcast_convert_type(bf, jnp.uint16), jnp.uint32
    )
    pairs = bits.reshape(D_HID // 2, 2, bits.shape[-1])
    packed = (pairs[:, 1, :] << 16) | pairs[:, 0, :]
    xwp_ref[...] = lax.bitcast_convert_type(packed, jnp.float32)


def _tc1(xp, W1, degp):
    B = 2048
    grid = NPAD // B
    return pl.pallas_call(
        _tc1_body,
        grid=(grid,),
        in_specs=[
            pl.BlockSpec((B, D_IN), lambda j: (j, 0)),
            pl.BlockSpec((D_IN, D_HID), lambda j: (0, 0)),
            pl.BlockSpec((NW, B), lambda j: (0, j)),
        ],
        out_specs=[
            pl.BlockSpec((D_HID, B), lambda j: (0, j)),
            pl.BlockSpec((D_HID // 2, B), lambda j: (0, j)),
            pl.BlockSpec((B,), lambda j: (j,)),
        ],
        out_shape=[
            jax.ShapeDtypeStruct((D_HID, NPAD), jnp.float32),
            jax.ShapeDtypeStruct((D_HID // 2, NPAD), jnp.float32),
            jax.ShapeDtypeStruct((NPAD,), jnp.float32),
        ],
    )(xp, W1, degp)


def _sc_agg64_body(xwp_hbm, rc_hbm, ew_hbm, p_hbm,
                   xwc, acc, rc0, rc1, wb0, wb1, sem0, sem1):
    cid = lax.axis_index("c")
    sid = lax.axis_index("s")
    base = cid * EHALF
    NCH = EHALF // CHUNK
    kvs = [jnp.full((L,), k, jnp.int32) for k in range(NPK)]
    jvs = [jnp.full((L,), j, jnp.int32) for j in range(DPT)]

    def start(g, rc, wb, sem):
        off = base + g * CHUNK
        pltpu.async_copy(rc_hbm.at[pl.ds(off, CHUNK)], rc, sem)
        pltpu.async_copy(ew_hbm.at[pl.ds(off, CHUNK)], wb, sem)

    def wait(rc, wb, sem):
        pltpu.make_async_copy(rc_hbm.at[pl.ds(0, CHUNK)], rc, sem).wait()
        pltpu.make_async_copy(ew_hbm.at[pl.ds(0, CHUNK)], wb, sem).wait()

    def process(rc, wb):
        @plsc.parallel_loop(0, CHUNK, step=L, unroll=4)
        def body(i):
            v = rc[pl.ds(i, L)]
            r = v & jnp.int32(0xFFFF)
            c = jnp.right_shift(v, 16)
            w = wb[pl.ds(i, L)]
            for k in range(NPK):
                g = plsc.load_gather(xwc, [kvs[k], r])
                ab = plsc.bitcast(g, jnp.bfloat16)
                va, vb = plsc.unpack(
                    ab, format=plsc.PackFormat.INTERLEAVED,
                    preferred_element_type=jnp.float32,
                )
                plsc.addupdate_scatter(acc, [jvs[2 * k], c], va * w)
                plsc.addupdate_scatter(acc, [jvs[2 * k + 1], c], vb * w)

    start(0, rc0, wb0, sem0)
    pltpu.sync_copy(xwp_hbm.at[pl.ds(sid * NPK, NPK)], xwc)
    _zero_vmem2(acc, DPT, NPAD)

    def outer(gg, _):
        g0 = gg * 2
        start(g0 + 1, rc1, wb1, sem1)
        wait(rc0, wb0, sem0)
        process(rc0, wb0)

        @pl.when(g0 + 2 < NCH)
        def _():
            start(g0 + 2, rc0, wb0, sem0)

        wait(rc1, wb1, sem1)
        process(rc1, wb1)
        return 0

    lax.fori_loop(0, NCH // 2, outer, 0)
    pltpu.sync_copy(acc, p_hbm.at[cid, pl.ds(sid * DPT, DPT)])


def _sc_agg64(xwp, rc, ew):
    k = pl.kernel(
        _sc_agg64_body,
        out_type=jax.ShapeDtypeStruct((NC, D_HID, NPAD), jnp.float32),
        mesh=_mesh(),
        compiler_params=pltpu.CompilerParams(needs_layout_passes=False),
        scratch_types=[
            pltpu.VMEM((NPK, NPAD), jnp.float32),
            pltpu.VMEM((DPT, NPAD), jnp.float32),
            pltpu.VMEM((CHUNK,), jnp.int32),
            pltpu.VMEM((CHUNK,), jnp.int32),
            pltpu.VMEM((CHUNK,), jnp.float32),
            pltpu.VMEM((CHUNK,), jnp.float32),
            pltpu.SemaphoreType.DMA,
            pltpu.SemaphoreType.DMA,
        ],
    )
    return k(xwp, rc, ew)


def _tc2_body(p_ref, xwT_ref, dis_ref, b1_ref, w2_ref, hw2_ref):
    dis = dis_ref[...]
    s = (p_ref[0] + p_ref[1] + xwT_ref[...]) * dis[None, :] + b1_ref[...]
    h = jnp.where(s > 0, s, jnp.exp(jnp.minimum(s, 0.0)) - 1.0)
    hw2_ref[...] = jnp.sum(h * w2_ref[...], axis=0) * dis


def _tc2(p, xwT, dis, b1c, W2):
    B = 2048
    grid = NPAD // B
    return pl.pallas_call(
        _tc2_body,
        grid=(grid,),
        in_specs=[
            pl.BlockSpec((NC, D_HID, B), lambda j: (0, 0, j)),
            pl.BlockSpec((D_HID, B), lambda j: (0, j)),
            pl.BlockSpec((B,), lambda j: (j,)),
            pl.BlockSpec((D_HID, 1), lambda j: (0, 0)),
            pl.BlockSpec((D_HID, 1), lambda j: (0, 0)),
        ],
        out_specs=pl.BlockSpec((B,), lambda j: (j,)),
        out_shape=jax.ShapeDtypeStruct((NPAD,), jnp.float32),
    )(p, xwT, dis, b1c, W2)


def _sc_agg1_body(hw2_hbm, rc_hbm, ew_hbm, q_hbm,
                  hv, acc, rcbuf, wbuf, sem):
    cid = lax.axis_index("c")
    sid = lax.axis_index("s")
    wid = cid * NS + sid
    pltpu.async_copy(hw2_hbm, hv, sem)
    pltpu.async_copy(rc_hbm.at[pl.ds(wid * EPT, EPT)], rcbuf, sem)
    pltpu.async_copy(ew_hbm.at[pl.ds(wid * EPT, EPT)], wbuf, sem)
    _zero_vmem(acc, NPAD)
    pltpu.make_async_copy(hw2_hbm, hv, sem).wait()
    pltpu.make_async_copy(rc_hbm.at[pl.ds(0, EPT)], rcbuf, sem).wait()
    pltpu.make_async_copy(ew_hbm.at[pl.ds(0, EPT)], wbuf, sem).wait()

    @plsc.parallel_loop(0, EPT, step=L, unroll=4)
    def body(i):
        v = rcbuf[pl.ds(i, L)]
        r = v & jnp.int32(0xFFFF)
        c = jnp.right_shift(v, 16)
        w = wbuf[pl.ds(i, L)]
        hr = plsc.load_gather(hv, [r])
        plsc.addupdate_scatter(acc, [c], hr * w)

    pltpu.sync_copy(acc, q_hbm.at[wid])


def _sc_agg1(hw2, rc, ew):
    k = pl.kernel(
        _sc_agg1_body,
        out_type=jax.ShapeDtypeStruct((NW, NPAD), jnp.float32),
        mesh=_mesh(),
        compiler_params=pltpu.CompilerParams(needs_layout_passes=False),
        scratch_types=[
            pltpu.VMEM((NPAD,), jnp.float32),
            pltpu.VMEM((NPAD,), jnp.float32),
            pltpu.VMEM((EPT,), jnp.int32),
            pltpu.VMEM((EPT,), jnp.float32),
            pltpu.SemaphoreType.DMA,
        ],
    )
    return k(hw2, rc, ew)


def _tc3_body(q_ref, hw2_ref, dis_ref, b2_ref, out_ref):
    z = (jnp.sum(q_ref[...], axis=0) + hw2_ref[...]) * dis_ref[...] + b2_ref[0, 0]
    out_ref[...] = 1.0 / (1.0 + jnp.exp(-z))


def _tc3(q, hw2, dis, b2c):
    B = 2048
    grid = NPAD // B
    return pl.pallas_call(
        _tc3_body,
        grid=(grid,),
        in_specs=[
            pl.BlockSpec((NW, B), lambda j: (0, j)),
            pl.BlockSpec((B,), lambda j: (j,)),
            pl.BlockSpec((B,), lambda j: (j,)),
            pl.BlockSpec((1, 1), lambda j: (0, 0)),
        ],
        out_specs=pl.BlockSpec((B,), lambda j: (j,)),
        out_shape=jax.ShapeDtypeStruct((NPAD,), jnp.float32),
    )(q, hw2, dis, b2c)


@jax.jit
def kernel(x, edge_index, edge_weight, W1, b1, W2, b2):
    row = edge_index[0]
    col = edge_index[1]
    xp = jnp.zeros((NPAD, D_IN), jnp.float32).at[:N].set(x)
    b1c = b1.reshape(D_HID, 1)
    b2c = b2.reshape(1, 1)

    rc = row | (col << 16)
    degp = _sc_deg(col, edge_weight)
    xwT, xwp, dis = _tc1(xp, W1, degp)
    p = _sc_agg64(xwp, rc, edge_weight)
    hw2 = _tc2(p, xwT, dis, b1c, W2)
    q = _sc_agg1(hw2, rc, edge_weight)
    out = _tc3(q, hw2, dis, b2c)
    return out[:N].reshape(N, 1)

# --- scband reference (transcript-rebuilt; emitter-appended) ---
"""Pipeline reference for scband-net-1786706395263 (READ-ONLY COPY).

The authoritative reference and input builder live on the scoring server;
editing this copy changes nothing except your own understanding.
"""

import jax, jax.numpy as jnp
import numpy as np

N = 10000
E = 320000
D_IN = 128
D_HID = 64


def setup_inputs(seed: int = 0) -> dict:
    key = jax.random.key(seed)
    k1, k2, k3, k4, k5 = jax.random.split(key, 5)
    x = jax.random.normal(k1, (N, D_IN), dtype=jnp.float32)
    edge_index = jax.random.randint(k2, (2, E), 0, N, dtype=jnp.int32)
    edge_weight = jax.random.uniform(k3, (E,), dtype=jnp.float32)
    W1 = jax.random.normal(k4, (D_IN, D_HID), dtype=jnp.float32) * 0.05
    b1 = jnp.zeros((D_HID,), dtype=jnp.float32)
    W2 = jax.random.normal(k5, (D_HID, 1), dtype=jnp.float32) * 0.05
    b2 = jnp.zeros((1,), dtype=jnp.float32)
    return {"x": x, "edge_index": edge_index, "edge_weight": edge_weight,
            "W1": W1, "b1": b1, "W2": W2, "b2": b2}


def gcn_conv(x, edge_index, edge_weight, W, b):
    # GCNConv with normalize=True: add self-loops, symmetric deg^{-1/2} normalization
    num_nodes = x.shape[0]
    x = x @ W
    row = edge_index[0]
    col = edge_index[1]
    loop = jnp.arange(num_nodes, dtype=row.dtype)
    row = jnp.concatenate([row, loop])
    col = jnp.concatenate([col, loop])
    ew = jnp.concatenate([edge_weight, jnp.ones((num_nodes,), dtype=edge_weight.dtype)])
    deg = jnp.zeros((num_nodes,), dtype=x.dtype).at[col].add(ew)
    deg_inv_sqrt = jnp.where(deg > 0, deg ** -0.5, 0.0)
    norm = deg_inv_sqrt[row] * ew * deg_inv_sqrt[col]
    msg = x[row] * norm[:, None]
    out = jnp.zeros((num_nodes, x.shape[1]), dtype=x.dtype).at[col].add(msg)
    return out + b


def reference(x, edge_index, edge_weight, W1, b1, W2, b2):
    # layer == 2 path; dropout has p=0.0 so it is the identity
    h = jax.nn.elu(gcn_conv(x, edge_index, edge_weight, W1, b1))
    out = jax.nn.sigmoid(gcn_conv(h, edge_index, edge_weight, W2, b2))
    return out

if __name__ == "__main__":
    import jax
    _d = setup_inputs()
    print(jax.jit(kernel)(*tuple(_d.values())))

</pallas_src>

<mosaic_0001>
#map = affine_map<(d0, d1) -> (0, 0)>
#map1 = affine_map<(d0, d1) -> (0)>
#map2 = affine_map<(d0, d1) -> (0, 0, 0)>
module attributes {stable_mosaic.version = 14 : i64} {
  func.func @_sc_agg64_body(%arg0: i32, %arg1: i32, %arg2: memref<32x10240xf32, #tpu.memory_space<hbm>>, %arg3: memref<320000xi32, #tpu.memory_space<hbm>>, %arg4: memref<320000xf32, #tpu.memory_space<hbm>>, %arg5: memref<2x64x10240xf32, #tpu.memory_space<hbm>>, %arg6: memref<2x10240xf32, #tpu.memory_space<vmem>>, %arg7: memref<4x10240xf32, #tpu.memory_space<vmem>>, %arg8: memref<3200xi32, #tpu.memory_space<vmem>>, %arg9: memref<3200xi32, #tpu.memory_space<vmem>>, %arg10: memref<3200xf32, #tpu.memory_space<vmem>>, %arg11: memref<3200xf32, #tpu.memory_space<vmem>>, %arg12: memref<!tpu.dma_semaphore, #tpu.memory_space<semaphore_mem>>, %arg13: memref<!tpu.dma_semaphore, #tpu.memory_space<semaphore_mem>>) attributes {dimension_semantics = [#tpu.dimension_semantics<core_parallel>, #tpu.dimension_semantics<subcore_parallel>], iteration_bounds = array<i64: 2, 16>, scalar_prefetch = 0 : i64, scratch_operands = 8 : i64, tpu.core_type = #tpu.core_type<sc_vector_subcore>, window_params = [{transform_indices = #map}, {transform_indices = #map1}, {transform_indices = #map1}, {transform_indices = #map2}]} {
    %mul3A = arith.constant 160000 : i32
    %mul3A_0 = arith.muli %arg0, %mul3A : i32
    %broadcast_in_dim3A = arith.constant 0 : i32
    %broadcast_in_dim3A_1 = vector.broadcast %broadcast_in_dim3A : i32 to vector<16xi32>
    %broadcast_in_dim3A_2 = arith.constant 1 : i32
    %broadcast_in_dim3A_3 = vector.broadcast %broadcast_in_dim3A_2 : i32 to vector<16xi32>
    %broadcast_in_dim3A_4 = arith.constant 0 : i32
    %broadcast_in_dim3A_5 = vector.broadcast %broadcast_in_dim3A_4 : i32 to vector<16xi32>
    %broadcast_in_dim3A_6 = arith.constant 1 : i32
    %broadcast_in_dim3A_7 = vector.broadcast %broadcast_in_dim3A_6 : i32 to vector<16xi32>
    %broadcast_in_dim3A_8 = arith.constant 2 : i32
    %broadcast_in_dim3A_9 = vector.broadcast %broadcast_in_dim3A_8 : i32 to vector<16xi32>
    %broadcast_in_dim3A_10 = arith.constant 3 : i32
    %broadcast_in_dim3A_11 = vector.broadcast %broadcast_in_dim3A_10 : i32 to vector<16xi32>
    %add3A = arith.constant 0 : i32
    %add3A_12 = arith.addi %mul3A_0, %add3A : i32
    %dma_start3A = tpu.memref_slice %arg3[%add3A_12] : memref<320000xi32, #tpu.memory_space<hbm>> -> memref<3200xi32, #tpu.memory_space<hbm>>
    %dma_start3A_13 = tpu.memref_slice %arg3[%add3A_12] : memref<320000xi32, #tpu.memory_space<hbm>> -> memref<3200xi32, #tpu.memory_space<hbm>>
    tpu.enqueue_dma source(%dma_start3A_13 : memref<3200xi32, #tpu.memory_space<hbm>>) target(%arg8 : memref<3200xi32, #tpu.memory_space<vmem>>) target_semaphore(%arg12 : memref<!tpu.dma_semaphore, #tpu.memory_space<semaphore_mem>>)
    %dma_start3A_14 = tpu.memref_slice %arg4[%add3A_12] : memref<320000xf32, #tpu.memory_space<hbm>> -> memref<3200xf32, #tpu.memory_space<hbm>>
    %dma_start3A_15 = tpu.memref_slice %arg4[%add3A_12] : memref<320000xf32, #tpu.memory_space<hbm>> -> memref<3200xf32, #tpu.memory_space<hbm>>
    tpu.enqueue_dma source(%dma_start3A_15 : memref<3200xf32, #tpu.memory_space<hbm>>) target(%arg10 : memref<3200xf32, #tpu.memory_space<vmem>>) target_semaphore(%arg12 : memref<!tpu.dma_semaphore, #tpu.memory_space<semaphore_mem>>)
    %mul3A_16 = arith.constant 2 : i32
    %mul3A_17 = arith.muli %arg1, %mul3A_16 : i32
    "tpu.region"() ({
      %run_scoped3A = tpu.sem_alloc : memref<!tpu.dma_semaphore, #tpu.memory_space<semaphore_mem>>
      %dma_start3A_35 = arith.constant 0 : i32
      %dma_start3A_36 = tpu.memref_slice %arg2[%mul3A_17, %dma_start3A_35] : memref<32x10240xf32, #tpu.memory_space<hbm>> -> memref<2x10240xf32, #tpu.memory_space<hbm>>
      %dma_start3A_37 = arith.constant 0 : i32
      %dma_start3A_38 = tpu.memref_slice %arg2[%mul3A_17, %dma_start3A_37] : memref<32x10240xf32, #tpu.memory_space<hbm>> -> memref<2x10240xf32, #tpu.memory_space<hbm>>
      tpu.enqueue_dma source(%dma_start3A_38 : memref<2x10240xf32, #tpu.memory_space<hbm>>) target(%arg6 : memref<2x10240xf32, #tpu.memory_space<vmem>>) target_semaphore(%run_scoped3A : memref<!tpu.dma_semaphore, #tpu.memory_space<semaphore_mem>>)
      %dma_wait3A = arith.constant 0 : i32
      %dma_wait3A_39 = tpu.memref_slice %arg2[%mul3A_17, %dma_wait3A] : memref<32x10240xf32, #tpu.memory_space<hbm>> -> memref<2x10240xf32, #tpu.memory_space<hbm>>
      %dma_wait3A_40 = arith.constant 0 : i32
      %dma_wait3A_41 = tpu.memref_slice %arg2[%mul3A_17, %dma_wait3A_40] : memref<32x10240xf32, #tpu.memory_space<hbm>> -> memref<2x10240xf32, #tpu.memory_space<hbm>>
      tpu.wait_dma2 semaphore(%run_scoped3A : memref<!tpu.dma_semaphore, #tpu.memory_space<semaphore_mem>>) src(%dma_wait3A_41 : memref<2x10240xf32, #tpu.memory_space<hbm>>) dst(%arg6 : memref<2x10240xf32, #tpu.memory_space<vmem>>)
      tpu.yield
    }) : () -> ()
    %broadcast_in_dim3A_18 = arith.constant 0.000000e+00 : f32
    %broadcast_in_dim3A_19 = vector.broadcast %broadcast_in_dim3A_18 : f32 to vector<16xf32>
    %scan3A = arith.constant 0 : i32
    %scan3A_20 = arith.constant 0 : i32
    %scan3A_21 = arith.constant 640 : i32
    %scan3A_22 = arith.addi %scan3A_20, %scan3A_21 : i32
    %scan3A_23 = arith.constant 1 : i32
    %scan3A_24 = scf.for %scan3A_35 = %scan3A_20 to %scan3A_22 step %scan3A_23 iter_args(%scan3A_36 = %scan3A) -> (i32)  : i32 {
      %mul3A_37 = arith.constant 16 : i32
      %mul3A_38 = arith.muli %scan3A_35, %mul3A_37 : i32
      %swap3A = arith.constant 0 : i32
      %swap3A_39 = arith.index_cast %swap3A : i32 to index
      %swap3A_40 = arith.index_cast %mul3A_38 : i32 to index
      %swap3A_41 = tpu.vector_load %arg7[%swap3A_39, %swap3A_40] {strides = array<i32>} : memref<4x10240xf32, #tpu.memory_space<vmem>>, vector<16xf32>,
      tpu.vector_store %arg7[%swap3A_39, %swap3A_40], %broadcast_in_dim3A_19 {strides = array<i32>} : memref<4x10240xf32, #tpu.memory_space<vmem>>, vector<16xf32>,
      %mul3A_42 = arith.constant 16 : i32
      %mul3A_43 = arith.muli %scan3A_35, %mul3A_42 : i32
      %swap3A_44 = arith.constant 1 : i32
      %swap3A_45 = arith.index_cast %swap3A_44 : i32 to index
      %swap3A_46 = arith.index_cast %mul3A_43 : i32 to index
      %swap3A_47 = tpu.vector_load %arg7[%swap3A_45, %swap3A_46] {strides = array<i32>} : memref<4x10240xf32, #tpu.memory_space<vmem>>, vector<16xf32>,
      tpu.vector_store %arg7[%swap3A_45, %swap3A_46], %broadcast_in_dim3A_19 {strides = array<i32>} : memref<4x10240xf32, #tpu.memory_space<vmem>>, vector<16xf32>,
      %mul3A_48 = arith.constant 16 : i32
      %mul3A_49 = arith.muli %scan3A_35, %mul3A_48 : i32
      %swap3A_50 = arith.constant 2 : i32
      %swap3A_51 = arith.index_cast %swap3A_50 : i32 to index
      %swap3A_52 = arith.index_cast %mul3A_49 : i32 to index
      %swap3A_53 = tpu.vector_load %arg7[%swap3A_51, %swap3A_52] {strides = array<i32>} : memref<4x10240xf32, #tpu.memory_space<vmem>>, vector<16xf32>,
      tpu.vector_store %arg7[%swap3A_51, %swap3A_52], %broadcast_in_dim3A_19 {strides = array<i32>} : memref<4x10240xf32, #tpu.memory_space<vmem>>, vector<16xf32>,
      %mul3A_54 = arith.constant 16 : i32
      %mul3A_55 = arith.muli %scan3A_35, %mul3A_54 : i32
      %swap3A_56 = arith.constant 3 : i32
      %swap3A_57 = arith.index_cast %swap3A_56 : i32 to index
      %swap3A_58 = arith.index_cast %mul3A_55 : i32 to index
      %swap3A_59 = tpu.vector_load %arg7[%swap3A_57, %swap3A_58] {strides = array<i32>} : memref<4x10240xf32, #tpu.memory_space<vmem>>, vector<16xf32>,
      tpu.vector_store %arg7[%swap3A_57, %swap3A_58], %broadcast_in_dim3A_19 {strides = array<i32>} : memref<4x10240xf32, #tpu.memory_space<vmem>>, vector<16xf32>,
      %scan3A_60 = arith.constant 0 : i32
      scf.yield %scan3A_60 : i32
    }
    %scan3A_25 = arith.constant 640 : i32
    %scan3A_26 = arith.constant 0 : i32
    %scan3A_27 = arith.constant 0 : i32
    %scan3A_28 = arith.constant 25 : i32
    %scan3A_29 = arith.addi %scan3A_27, %scan3A_28 : i32
    %scan3A_30 = arith.constant 1 : i32
    %scan3A_31 = scf.for %scan3A_35 = %scan3A_27 to %scan3A_29 step %scan3A_30 iter_args(%scan3A_36 = %scan3A_26) -> (i32)  : i32 {
      %mul3A_37 = arith.constant 2 : i32
      %mul3A_38 = arith.muli %scan3A_35, %mul3A_37 : i32
      %add3A_39 = arith.constant 1 : i32
      %add3A_40 = arith.addi %mul3A_38, %add3A_39 : i32
      %mul3A_41 = arith.constant 3200 : i32
      %mul3A_42 = arith.muli %add3A_40, %mul3A_41 : i32
      %add3A_43 = arith.addi %mul3A_0, %mul3A_42 : i32
      %dma_start3A_44 = tpu.memref_slice %arg3[%add3A_43] : memref<320000xi32, #tpu.memory_space<hbm>> -> memref<3200xi32, #tpu.memory_space<hbm>>
      %dma_start3A_45 = tpu.memref_slice %arg3[%add3A_43] : memref<320000xi32, #tpu.memory_space<hbm>> -> memref<3200xi32, #tpu.memory_space<hbm>>
      tpu.enqueue_dma source(%dma_start3A_45 : memref<3200xi32, #tpu.memory_space<hbm>>) target(%arg9 : memref<3200xi32, #tpu.memory_space<vmem>>) target_semaphore(%arg13 : memref<!tpu.dma_semaphore, #tpu.memory_space<semaphore_mem>>)
      %dma_start3A_46 = tpu.memref_slice %arg4[%add3A_43] : memref<320000xf32, #tpu.memory_space<hbm>> -> memref<3200xf32, #tpu.memory_space<hbm>>
      %dma_start3A_47 = tpu.memref_slice %arg4[%add3A_43] : memref<320000xf32, #tpu.memory_space<hbm>> -> memref<3200xf32, #tpu.memory_space<hbm>>
      tpu.enqueue_dma source(%dma_start3A_47 : memref<3200xf32, #tpu.memory_space<hbm>>) target(%arg11 : memref<3200xf32, #tpu.memory_space<vmem>>) target_semaphore(%arg13 : memref<!tpu.dma_semaphore, #tpu.memory_space<semaphore_mem>>)
      %dma_wait3A = arith.constant 0 : i32
      %dma_wait3A_48 = tpu.memref_slice %arg3[%dma_wait3A] : memref<320000xi32, #tpu.memory_space<hbm>> -> memref<3200xi32, #tpu.memory_space<hbm>>
      %dma_wait3A_49 = arith.constant 0 : i32
      %dma_wait3A_50 = tpu.memref_slice %arg3[%dma_wait3A_49] : memref<320000xi32, #tpu.memory_space<hbm>> -> memref<3200xi32, #tpu.memory_space<hbm>>
      tpu.wait_dma2 semaphore(%arg12 : memref<!tpu.dma_semaphore, #tpu.memory_space<semaphore_mem>>) src(%dma_wait3A_50 : memref<3200xi32, #tpu.memory_space<hbm>>) dst(%arg8 : memref<3200xi32, #tpu.memory_space<vmem>>)
      %dma_wait3A_51 = arith.constant 0 : i32
      %dma_wait3A_52 = tpu.memref_slice %arg4[%dma_wait3A_51] : memref<320000xf32, #tpu.memory_space<hbm>> -> memref<3200xf32, #tpu.memory_space<hbm>>
      %dma_wait3A_53 = arith.constant 0 : i32
      %dma_wait3A_54 = tpu.memref_slice %arg4[%dma_wait3A_53] : memref<320000xf32, #tpu.memory_space<hbm>> -> memref<3200xf32, #tpu.memory_space<hbm>>
      tpu.wait_dma2 semaphore(%arg12 : memref<!tpu.dma_semaphore, #tpu.memory_space<semaphore_mem>>) src(%dma_wait3A_54 : memref<3200xf32, #tpu.memory_space<hbm>>) dst(%arg10 : memref<3200xf32, #tpu.memory_space<vmem>>)
      %parallel_loop3A = arith.constant 0 : i32
      %parallel_loop3A_55 = arith.constant 3200 : i32
      %parallel_loop3A_56 = arith.constant 16 : i32
      scf.for %parallel_loop3A_73 = %parallel_loop3A to %parallel_loop3A_55 step %parallel_loop3A_56  : i32 {
        %parallel_loop3A_74 = arith.index_cast %parallel_loop3A_73 : i32 to index
        %parallel_loop3A_75 = tpu.vector_load %arg8[%parallel_loop3A_74] {strides = array<i32>} : memref<3200xi32, #tpu.memory_space<vmem>>, vector<16xi32>,
        %parallel_loop3A_76 = arith.constant 65535 : i32
        %parallel_loop3A_77 = vector.broadcast %parallel_loop3A_76 : i32 to vector<16xi32>
        %parallel_loop3A_78 = arith.andi %parallel_loop3A_75, %parallel_loop3A_77 : vector<16xi32>
        %parallel_loop3A_79 = arith.constant 16 : i32
        %parallel_loop3A_80 = vector.broadcast %parallel_loop3A_79 : i32 to vector<16xi32>
        %parallel_loop3A_81 = arith.shrsi %parallel_loop3A_75, %parallel_loop3A_80 : vector<16xi32>
        %parallel_loop3A_82 = arith.index_cast %parallel_loop3A_73 : i32 to index
        %parallel_loop3A_83 = tpu.vector_load %arg10[%parallel_loop3A_82] {strides = array<i32>} : memref<3200xf32, #tpu.memory_space<vmem>>, vector<16xf32>,
        %parallel_loop3A_84 = tpu.vector_load_idx %arg6[%broadcast_in_dim3A_1, %parallel_loop3A_78] : memref<2x10240xf32, #tpu.memory_space<vmem>>[vector<16xi32>, vector<16xi32>], vector<16xf32>,
        %parallel_loop3A_85 = vector.bitcast %parallel_loop3A_84 : vector<16xf32> to vector<32xbf16>
        %parallel_loop3A_86 = tpu.unpack_subelements %parallel_loop3A_85, 0 {pack_format = #tpu.pack_format<interleaved>} : vector<32xbf16> -> vector<16xf32>
        %parallel_loop3A_87 = tpu.unpack_subelements %parallel_loop3A_85, 1 {pack_format = #tpu.pack_format<interleaved>} : vector<32xbf16> -> vector<16xf32>
        %parallel_loop3A_88 = arith.mulf %parallel_loop3A_86, %parallel_loop3A_83 : vector<16xf32>
        tpu.vector_store_idx %arg7[%broadcast_in_dim3A_5, %parallel_loop3A_81], %parallel_loop3A_88 {add = true} : memref<4x10240xf32, #tpu.memory_space<vmem>>[vector<16xi32>, vector<16xi32>], vector<16xf32>,
        %parallel_loop3A_89 = arith.mulf %parallel_loop3A_87, %parallel_loop3A_83 : vector<16xf32>
        tpu.vector_store_idx %arg7[%broadcast_in_dim3A_7, %parallel_loop3A_81], %parallel_loop3A_89 {add = true} : memref<4x10240xf32, #tpu.memory_space<vmem>>[vector<16xi32>, vector<16xi32>], vector<16xf32>,
        %parallel_loop3A_90 = tpu.vector_load_idx %arg6[%broadcast_in_dim3A_3, %parallel_loop3A_78] : memref<2x10240xf32, #tpu.memory_space<vmem>>[vector<16xi32>, vector<16xi32>], vector<16xf32>,
        %parallel_loop3A_91 = vector.bitcast %parallel_loop3A_90 : vector<16xf32> to vector<32xbf16>
        %parallel_loop3A_92 = tpu.unpack_subelements %parallel_loop3A_91, 0 {pack_format = #tpu.pack_format<interleaved>} : vector<32xbf16> -> vector<16xf32>
        %parallel_loop3A_93 = tpu.unpack_subelements %parallel_loop3A_91, 1 {pack_format = #tpu.pack_format<interleaved>} : vector<32xbf16> -> vector<16xf32>
        %parallel_loop3A_94 = arith.mulf %parallel_loop3A_92, %parallel_loop3A_83 : vector<16xf32>
        tpu.vector_store_idx %arg7[%broadcast_in_dim3A_9, %parallel_loop3A_81], %parallel_loop3A_94 {add = true} : memref<4x10240xf32, #tpu.memory_space<vmem>>[vector<16xi32>, vector<16xi32>], vector<16xf32>,
        %parallel_loop3A_95 = arith.mulf %parallel_loop3A_93, %parallel_loop3A_83 : vector<16xf32>
        tpu.vector_store_idx %arg7[%broadcast_in_dim3A_11, %parallel_loop3A_81], %parallel_loop3A_95 {add = true} : memref<4x10240xf32, #tpu.memory_space<vmem>>[vector<16xi32>, vector<16xi32>], vector<16xf32>,
      } {sc.loop_unroll_factor = 4 : i64, sc.parallel_access}
      %add3A_57 = arith.constant 2 : i32
      %add3A_58 = arith.addi %mul3A_38, %add3A_57 : i32
      %lt3A = arith.constant 50 : i32
      %lt3A_59 = arith.cmpi slt, %add3A_58, %lt3A : i32
      %convert_element_type3A = arith.extui %lt3A_59 : i1 to i32
      %cond3A = arith.constant 0 : i32
      %cond3A_60 = arith.cmpi ne, %convert_element_type3A, %cond3A : i32
      scf.if %cond3A_60 {
        %add3A_73 = arith.constant 2 : i32
        %add3A_74 = arith.addi %mul3A_38, %add3A_73 : i32
        %mul3A_75 = arith.constant 3200 : i32
        %mul3A_76 = arith.muli %add3A_74, %mul3A_75 : i32
        %add3A_77 = arith.addi %mul3A_0, %mul3A_76 : i32
        %dma_start3A_78 = tpu.memref_slice %arg3[%add3A_77] : memref<320000xi32, #tpu.memory_space<hbm>> -> memref<3200xi32, #tpu.memory_space<hbm>>
        %dma_start3A_79 = tpu.memref_slice %arg3[%add3A_77] : memref<320000xi32, #tpu.memory_space<hbm>> -> memref<3200xi32, #tpu.memory_space<hbm>>
        tpu.enqueue_dma source(%dma_start3A_79 : memref<3200xi32, #tpu.memory_space<hbm>>) target(%arg8 : memref<3200xi32, #tpu.memory_space<vmem>>) target_semaphore(%arg12 : memref<!tpu.dma_semaphore, #tpu.memory_space<semaphore_mem>>)
        %dma_start3A_80 = tpu.memref_slice %arg4[%add3A_77] : memref<320000xf32, #tpu.memory_space<hbm>> -> memref<3200xf32, #tpu.memory_space<hbm>>
        %dma_start3A_81 = tpu.memref_slice %arg4[%add3A_77] : memref<320000xf32, #tpu.memory_space<hbm>> -> memref<3200xf32, #tpu.memory_space<hbm>>
        tpu.enqueue_dma source(%dma_start3A_81 : memref<3200xf32, #tpu.memory_space<hbm>>) target(%arg10 : memref<3200xf32, #tpu.memory_space<vmem>>) target_semaphore(%arg12 : memref<!tpu.dma_semaphore, #tpu.memory_space<semaphore_mem>>)
      } else {
      }
      %dma_wait3A_61 = arith.constant 0 : i32
      %dma_wait3A_62 = tpu.memref_slice %arg3[%dma_wait3A_61] : memref<320000xi32, #tpu.memory_space<hbm>> -> memref<3200xi32, #tpu.memory_space<hbm>>
      %dma_wait3A_63 = arith.constant 0 : i32
      %dma_wait3A_64 = tpu.memref_slice %arg3[%dma_wait3A_63] : memref<320000xi32, #tpu.memory_space<hbm>> -> memref<3200xi32, #tpu.memory_space<hbm>>
      tpu.wait_dma2 semaphore(%arg13 : memref<!tpu.dma_semaphore, #tpu.memory_space<semaphore_mem>>) src(%dma_wait3A_64 : memref<3200xi32, #tpu.memory_space<hbm>>) dst(%arg9 : memref<3200xi32, #tpu.memory_space<vmem>>)
      %dma_wait3A_65 = arith.constant 0 : i32
      %dma_wait3A_66 = tpu.memref_slice %arg4[%dma_wait3A_65] : memref<320000xf32, #tpu.memory_space<hbm>> -> memref<3200xf32, #tpu.memory_space<hbm>>
      %dma_wait3A_67 = arith.constant 0 : i32
      %dma_wait3A_68 = tpu.memref_slice %arg4[%dma_wait3A_67] : memref<320000xf32, #tpu.memory_space<hbm>> -> memref<3200xf32, #tpu.memory_space<hbm>>
      tpu.wait_dma2 semaphore(%arg13 : memref<!tpu.dma_semaphore, #tpu.memory_space<semaphore_mem>>) src(%dma_wait3A_68 : memref<3200xf32, #tpu.memory_space<hbm>>) dst(%arg11 : memref<3200xf32, #tpu.memory_space<vmem>>)
      %parallel_loop3A_69 = arith.constant 0 : i32
      %parallel_loop3A_70 = arith.constant 3200 : i32
      %parallel_loop3A_71 = arith.constant 16 : i32
      scf.for %parallel_loop3A_73 = %parallel_loop3A_69 to %parallel_loop3A_70 step %parallel_loop3A_71  : i32 {
        %parallel_loop3A_74 = arith.index_cast %parallel_loop3A_73 : i32 to index
        %parallel_loop3A_75 = tpu.vector_load %arg9[%parallel_loop3A_74] {strides = array<i32>} : memref<3200xi32, #tpu.memory_space<vmem>>, vector<16xi32>,
        %parallel_loop3A_76 = arith.constant 65535 : i32
        %parallel_loop3A_77 = vector.broadcast %parallel_loop3A_76 : i32 to vector<16xi32>
        %parallel_loop3A_78 = arith.andi %parallel_loop3A_75, %parallel_loop3A_77 : vector<16xi32>
        %parallel_loop3A_79 = arith.constant 16 : i32
        %parallel_loop3A_80 = vector.broadcast %parallel_loop3A_79 : i32 to vector<16xi32>
        %parallel_loop3A_81 = arith.shrsi %parallel_loop3A_75, %parallel_loop3A_80 : vector<16xi32>
        %parallel_loop3A_82 = arith.index_cast %parallel_loop3A_73 : i32 to index
        %parallel_loop3A_83 = tpu.vector_load %arg11[%parallel_loop3A_82] {strides = array<i32>} : memref<3200xf32, #tpu.memory_space<vmem>>, vector<16xf32>,
        %parallel_loop3A_84 = tpu.vector_load_idx %arg6[%broadcast_in_dim3A_1, %parallel_loop3A_78] : memref<2x10240xf32, #tpu.memory_space<vmem>>[vector<16xi32>, vector<16xi32>], vector<16xf32>,
        %parallel_loop3A_85 = vector.bitcast %parallel_loop3A_84 : vector<16xf32> to vector<32xbf16>
        %parallel_loop3A_86 = tpu.unpack_subelements %parallel_loop3A_85, 0 {pack_format = #tpu.pack_format<interleaved>} : vector<32xbf16> -> vector<16xf32>
        %parallel_loop3A_87 = tpu.unpack_subelements %parallel_loop3A_85, 1 {pack_format = #tpu.pack_format<interleaved>} : vector<32xbf16> -> vector<16xf32>
        %parallel_loop3A_88 = arith.mulf %parallel_loop3A_86, %parallel_loop3A_83 : vector<16xf32>
        tpu.vector_store_idx %arg7[%broadcast_in_dim3A_5, %parallel_loop3A_81], %parallel_loop3A_88 {add = true} : memref<4x10240xf32, #tpu.memory_space<vmem>>[vector<16xi32>, vector<16xi32>], vector<16xf32>,
        %parallel_loop3A_89 = arith.mulf %parallel_loop3A_87, %parallel_loop3A_83 : vector<16xf32>
        tpu.vector_store_idx %arg7[%broadcast_in_dim3A_7, %parallel_loop3A_81], %parallel_loop3A_89 {add = true} : memref<4x10240xf32, #tpu.memory_space<vmem>>[vector<16xi32>, vector<16xi32>], vector<16xf32>,
        %parallel_loop3A_90 = tpu.vector_load_idx %arg6[%broadcast_in_dim3A_3, %parallel_loop3A_78] : memref<2x10240xf32, #tpu.memory_space<vmem>>[vector<16xi32>, vector<16xi32>], vector<16xf32>,
        %parallel_loop3A_91 = vector.bitcast %parallel_loop3A_90 : vector<16xf32> to vector<32xbf16>
        %parallel_loop3A_92 = tpu.unpack_subelements %parallel_loop3A_91, 0 {pack_format = #tpu.pack_format<interleaved>} : vector<32xbf16> -> vector<16xf32>
        %parallel_loop3A_93 = tpu.unpack_subelements %parallel_loop3A_91, 1 {pack_format = #tpu.pack_format<interleaved>} : vector<32xbf16> -> vector<16xf32>
        %parallel_loop3A_94 = arith.mulf %parallel_loop3A_92, %parallel_loop3A_83 : vector<16xf32>
        tpu.vector_store_idx %arg7[%broadcast_in_dim3A_9, %parallel_loop3A_81], %parallel_loop3A_94 {add = true} : memref<4x10240xf32, #tpu.memory_space<vmem>>[vector<16xi32>, vector<16xi32>], vector<16xf32>,
        %parallel_loop3A_95 = arith.mulf %parallel_loop3A_93, %parallel_loop3A_83 : vector<16xf32>
        tpu.vector_store_idx %arg7[%broadcast_in_dim3A_11, %parallel_loop3A_81], %parallel_loop3A_95 {add = true} : memref<4x10240xf32, #tpu.memory_space<vmem>>[vector<16xi32>, vector<16xi32>], vector<16xf32>,
      } {sc.loop_unroll_factor = 4 : i64, sc.parallel_access}
      %scan3A_72 = arith.constant 0 : i32
      scf.yield %scan3A_72 : i32
    }
    %scan3A_32 = arith.constant 25 : i32
    %mul3A_33 = arith.constant 4 : i32
    %mul3A_34 = arith.muli %arg1, %mul3A_33 : i32
    "tpu.region"() ({
      %run_scoped3A = tpu.sem_alloc : memref<!tpu.dma_semaphore, #tpu.memory_space<semaphore_mem>>
      %dma_start3A_35 = arith.constant 0 : i32
      %dma_start3A_36 = tpu.memref_slice %arg5[%arg0, %mul3A_34, %dma_start3A_35] : memref<2x64x10240xf32, #tpu.memory_space<hbm>> -> memref<1x4x10240xf32, #tpu.memory_space<hbm>>
      %dma_start3A_37 = tpu.memref_squeeze %dma_start3A_36 : memref<1x4x10240xf32, #tpu.memory_space<hbm>> -> memref<4x10240xf32, #tpu.memory_space<hbm>>
      %dma_start3A_38 = arith.constant 0 : i32
      %dma_start3A_39 = tpu.memref_slice %arg5[%arg0, %mul3A_34, %dma_start3A_38] : memref<2x64x10240xf32, #tpu.memory_space<hbm>> -> memref<1x4x10240xf32, #tpu.memory_space<hbm>>
      %dma_start3A_40 = tpu.memref_squeeze %dma_start3A_39 : memref<1x4x10240xf32, #tpu.memory_space<hbm>> -> memref<4x10240xf32, #tpu.memory_space<hbm>>
      tpu.enqueue_dma source(%arg7 : memref<4x10240xf32, #tpu.memory_space<vmem>>) target(%dma_start3A_40 : memref<4x10240xf32, #tpu.memory_space<hbm>>) target_semaphore(%run_scoped3A : memref<!tpu.dma_semaphore, #tpu.memory_space<semaphore_mem>>)
      %dma_wait3A = arith.constant 0 : i32
      %dma_wait3A_41 = tpu.memref_slice %arg5[%arg0, %mul3A_34, %dma_wait3A] : memref<2x64x10240xf32, #tpu.memory_space<hbm>> -> memref<1x4x10240xf32, #tpu.memory_space<hbm>>
      %dma_wait3A_42 = tpu.memref_squeeze %dma_wait3A_41 : memref<1x4x10240xf32, #tpu.memory_space<hbm>> -> memref<4x10240xf32, #tpu.memory_space<hbm>>
      %dma_wait3A_43 = arith.constant 0 : i32
      %dma_wait3A_44 = tpu.memref_slice %arg5[%arg0, %mul3A_34, %dma_wait3A_43] : memref<2x64x10240xf32, #tpu.memory_space<hbm>> -> memref<1x4x10240xf32, #tpu.memory_space<hbm>>
      %dma_wait3A_45 = tpu.memref_squeeze %dma_wait3A_44 : memref<1x4x10240xf32, #tpu.memory_space<hbm>> -> memref<4x10240xf32, #tpu.memory_space<hbm>>
      tpu.wait_dma2 semaphore(%run_scoped3A : memref<!tpu.dma_semaphore, #tpu.memory_space<semaphore_mem>>) src(%arg7 : memref<4x10240xf32, #tpu.memory_space<vmem>>) dst(%dma_wait3A_45 : memref<4x10240xf32, #tpu.memory_space<hbm>>)
      tpu.yield
    }) : () -> ()
    return
  }
}

#map = affine_map<(d0, d1) -> (0)>
#map1 = affine_map<(d0, d1) -> (0, 0)>
module attributes {stable_mosaic.version = 14 : i64} {
  func.func @_sc_deg_body(%arg0: i32, %arg1: i32, %arg2: memref<320000xi32, #tpu.memory_space<hbm>>, %arg3: memref<320000xf32, #tpu.memory_space<hbm>>, %arg4: memref<32x10240xf32, #tpu.memory_space<hbm>>, %arg5: memref<10000xi32, #tpu.memory_space<vmem>>, %arg6: memref<10000xf32, #tpu.memory_space<vmem>>, %arg7: memref<10240xf32, #tpu.memory_space<vmem>>, %arg8: memref<!tpu.dma_semaphore, #tpu.memory_space<semaphore_mem>>) attributes {dimension_semantics = [#tpu.dimension_semantics<core_parallel>, #tpu.dimension_semantics<subcore_parallel>], iteration_bounds = array<i64: 2, 16>, scalar_prefetch = 0 : i64, scratch_operands = 4 : i64, tpu.core_type = #tpu.core_type<sc_vector_subcore>, window_params = [{transform_indices = #map}, {transform_indices = #map}, {transform_indices = #map1}]} {
    %mul3A = arith.constant 16 : i32
    %mul3A_0 = arith.muli %arg0, %mul3A : i32
    %add3A = arith.addi %mul3A_0, %arg1 : i32
    %mul3A_1 = arith.constant 10000 : i32
    %mul3A_2 = arith.muli %add3A, %mul3A_1 : i32
    %dma_start3A = tpu.memref_slice %arg2[%mul3A_2] : memref<320000xi32, #tpu.memory_space<hbm>> -> memref<10000xi32, #tpu.memory_space<hbm>>
    %dma_start3A_3 = tpu.memref_slice %arg2[%mul3A_2] : memref<320000xi32, #tpu.memory_space<hbm>> -> memref<10000xi32, #tpu.memory_space<hbm>>
    tpu.enqueue_dma source(%dma_start3A_3 : memref<10000xi32, #tpu.memory_space<hbm>>) target(%arg5 : memref<10000xi32, #tpu.memory_space<vmem>>) target_semaphore(%arg8 : memref<!tpu.dma_semaphore, #tpu.memory_space<semaphore_mem>>)
    %mul3A_4 = arith.constant 10000 : i32
    %mul3A_5 = arith.muli %add3A, %mul3A_4 : i32
    %dma_start3A_6 = tpu.memref_slice %arg3[%mul3A_5] : memref<320000xf32, #tpu.memory_space<hbm>> -> memref<10000xf32, #tpu.memory_space<hbm>>
    %dma_start3A_7 = tpu.memref_slice %arg3[%mul3A_5] : memref<320000xf32, #tpu.memory_space<hbm>> -> memref<10000xf32, #tpu.memory_space<hbm>>
    tpu.enqueue_dma source(%dma_start3A_7 : memref<10000xf32, #tpu.memory_space<hbm>>) target(%arg6 : memref<10000xf32, #tpu.memory_space<vmem>>) target_semaphore(%arg8 : memref<!tpu.dma_semaphore, #tpu.memory_space<semaphore_mem>>)
    %broadcast_in_dim3A = arith.constant 0.000000e+00 : f32
    %broadcast_in_dim3A_8 = vector.broadcast %broadcast_in_dim3A : f32 to vector<16xf32>
    %scan3A = arith.constant 0 : i32
    %scan3A_9 = arith.constant 0 : i32
    %scan3A_10 = arith.constant 640 : i32
    %scan3A_11 = arith.addi %scan3A_9, %scan3A_10 : i32
    %scan3A_12 = arith.constant 1 : i32
    %scan3A_13 = scf.for %scan3A_24 = %scan3A_9 to %scan3A_11 step %scan3A_12 iter_args(%scan3A_25 = %scan3A) -> (i32)  : i32 {
      %mul3A_26 = arith.constant 16 : i32
      %mul3A_27 = arith.muli %scan3A_24, %mul3A_26 : i32
      %swap3A = arith.index_cast %mul3A_27 : i32 to index
      %swap3A_28 = tpu.vector_load %arg7[%swap3A] {strides = array<i32>} : memref<10240xf32, #tpu.memory_space<vmem>>, vector<16xf32>,
      tpu.vector_store %arg7[%swap3A], %broadcast_in_dim3A_8 {strides = array<i32>} : memref<10240xf32, #tpu.memory_space<vmem>>, vector<16xf32>,
      %scan3A_29 = arith.constant 0 : i32
      scf.yield %scan3A_29 : i32
    }
    %scan3A_14 = arith.constant 640 : i32
    %dma_wait3A = arith.constant 0 : i32
    %dma_wait3A_15 = tpu.memref_slice %arg2[%dma_wait3A] : memref<320000xi32, #tpu.memory_space<hbm>> -> memref<10000xi32, #tpu.memory_space<hbm>>
    %dma_wait3A_16 = arith.constant 0 : i32
    %dma_wait3A_17 = tpu.memref_slice %arg2[%dma_wait3A_16] : memref<320000xi32, #tpu.memory_space<hbm>> -> memref<10000xi32, #tpu.memory_space<hbm>>
    tpu.wait_dma2 semaphore(%arg8 : memref<!tpu.dma_semaphore, #tpu.memory_space<semaphore_mem>>) src(%dma_wait3A_17 : memref<10000xi32, #tpu.memory_space<hbm>>) dst(%arg5 : memref<10000xi32, #tpu.memory_space<vmem>>)
    %dma_wait3A_18 = arith.constant 0 : i32
    %dma_wait3A_19 = tpu.memref_slice %arg3[%dma_wait3A_18] : memref<320000xf32, #tpu.memory_space<hbm>> -> memref<10000xf32, #tpu.memory_space<hbm>>
    %dma_wait3A_20 = arith.constant 0 : i32
    %dma_wait3A_21 = tpu.memref_slice %arg3[%dma_wait3A_20] : memref<320000xf32, #tpu.memory_space<hbm>> -> memref<10000xf32, #tpu.memory_space<hbm>>
    tpu.wait_dma2 semaphore(%arg8 : memref<!tpu.dma_semaphore, #tpu.memory_space<semaphore_mem>>) src(%dma_wait3A_21 : memref<10000xf32, #tpu.memory_space<hbm>>) dst(%arg6 : memref<10000xf32, #tpu.memory_space<vmem>>)
    %parallel_loop3A = arith.constant 0 : i32
    %parallel_loop3A_22 = arith.constant 10000 : i32
    %parallel_loop3A_23 = arith.constant 16 : i32
    scf.for %parallel_loop3A_24 = %parallel_loop3A to %parallel_loop3A_22 step %parallel_loop3A_23  : i32 {
      %parallel_loop3A_25 = arith.index_cast %parallel_loop3A_24 : i32 to index
      %parallel_loop3A_26 = tpu.vector_load %arg5[%parallel_loop3A_25] {strides = array<i32>} : memref<10000xi32, #tpu.memory_space<vmem>>, vector<16xi32>,
      %parallel_loop3A_27 = arith.index_cast %parallel_loop3A_24 : i32 to index
      %parallel_loop3A_28 = tpu.vector_load %arg6[%parallel_loop3A_27] {strides = array<i32>} : memref<10000xf32, #tpu.memory_space<vmem>>, vector<16xf32>,
      tpu.vector_store_idx %arg7[%parallel_loop3A_26], %parallel_loop3A_28 {add = true} : memref<10240xf32, #tpu.memory_space<vmem>>[vector<16xi32>], vector<16xf32>,
    } {sc.loop_unroll_factor = 4 : i64, sc.parallel_access}
    "tpu.region"() ({
      %run_scoped3A = tpu.sem_alloc : memref<!tpu.dma_semaphore, #tpu.memory_space<semaphore_mem>>
      %dma_start3A_24 = arith.constant 0 : i32
      %dma_start3A_25 = tpu.memref_slice %arg4[%add3A, %dma_start3A_24] : memref<32x10240xf32, #tpu.memory_space<hbm>> -> memref<1x10240xf32, #tpu.memory_space<hbm>>
      %dma_start3A_26 = tpu.memref_squeeze %dma_start3A_25 : memref<1x10240xf32, #tpu.memory_space<hbm>> -> memref<10240xf32, #tpu.memory_space<hbm>>
      %dma_start3A_27 = arith.constant 0 : i32
      %dma_start3A_28 = tpu.memref_slice %arg4[%add3A, %dma_start3A_27] : memref<32x10240xf32, #tpu.memory_space<hbm>> -> memref<1x10240xf32, #tpu.memory_space<hbm>>
      %dma_start3A_29 = tpu.memref_squeeze %dma_start3A_28 : memref<1x10240xf32, #tpu.memory_space<hbm>> -> memref<10240xf32, #tpu.memory_space<hbm>>
      tpu.enqueue_dma source(%arg7 : memref<10240xf32, #tpu.memory_space<vmem>>) target(%dma_start3A_29 : memref<10240xf32, #tpu.memory_space<hbm>>) target_semaphore(%run_scoped3A : memref<!tpu.dma_semaphore, #tpu.memory_space<semaphore_mem>>)
      %dma_wait3A_30 = arith.constant 0 : i32
      %dma_wait3A_31 = tpu.memref_slice %arg4[%add3A, %dma_wait3A_30] : memref<32x10240xf32, #tpu.memory_space<hbm>> -> memref<1x10240xf32, #tpu.memory_space<hbm>>
      %dma_wait3A_32 = tpu.memref_squeeze %dma_wait3A_31 : memref<1x10240xf32, #tpu.memory_space<hbm>> -> memref<10240xf32, #tpu.memory_space<hbm>>
      %dma_wait3A_33 = arith.constant 0 : i32
      %dma_wait3A_34 = tpu.memref_slice %arg4[%add3A, %dma_wait3A_33] : memref<32x10240xf32, #tpu.memory_space<hbm>> -> memref<1x10240xf32, #tpu.memory_space<hbm>>
      %dma_wait3A_35 = tpu.memref_squeeze %dma_wait3A_34 : memref<1x10240xf32, #tpu.memory_space<hbm>> -> memref<10240xf32, #tpu.memory_space<hbm>>
      tpu.wait_dma2 semaphore(%run_scoped3A : memref<!tpu.dma_semaphore, #tpu.memory_space<semaphore_mem>>) src(%arg7 : memref<10240xf32, #tpu.memory_space<vmem>>) dst(%dma_wait3A_35 : memref<10240xf32, #tpu.memory_space<hbm>>)
      tpu.yield
    }) : () -> ()
    return
  }
}

#map = affine_map<(d0, d1) -> (0)>
#map1 = affine_map<(d0, d1) -> (0, 0)>
module attributes {stable_mosaic.version = 14 : i64} {
  func.func @_sc_agg1_body(%arg0: i32, %arg1: i32, %arg2: memref<10240xf32, #tpu.memory_space<hbm>>, %arg3: memref<320000xi32, #tpu.memory_space<hbm>>, %arg4: memref<320000xf32, #tpu.memory_space<hbm>>, %arg5: memref<32x10240xf32, #tpu.memory_space<hbm>>, %arg6: memref<10240xf32, #tpu.memory_space<vmem>>, %arg7: memref<10240xf32, #tpu.memory_space<vmem>>, %arg8: memref<10000xi32, #tpu.memory_space<vmem>>, %arg9: memref<10000xf32, #tpu.memory_space<vmem>>, %arg10: memref<!tpu.dma_semaphore, #tpu.memory_space<semaphore_mem>>) attributes {dimension_semantics = [#tpu.dimension_semantics<core_parallel>, #tpu.dimension_semantics<subcore_parallel>], iteration_bounds = array<i64: 2, 16>, scalar_prefetch = 0 : i64, scratch_operands = 5 : i64, tpu.core_type = #tpu.core_type<sc_vector_subcore>, window_params = [{transform_indices = #map}, {transform_indices = #map}, {transform_indices = #map}, {transform_indices = #map1}]} {
    %mul3A = arith.constant 16 : i32
    %mul3A_0 = arith.muli %arg0, %mul3A : i32
    %add3A = arith.addi %mul3A_0, %arg1 : i32
    tpu.enqueue_dma source(%arg2 : memref<10240xf32, #tpu.memory_space<hbm>>) target(%arg6 : memref<10240xf32, #tpu.memory_space<vmem>>) target_semaphore(%arg10 : memref<!tpu.dma_semaphore, #tpu.memory_space<semaphore_mem>>)
    %mul3A_1 = arith.constant 10000 : i32
    %mul3A_2 = arith.muli %add3A, %mul3A_1 : i32
    %dma_start3A = tpu.memref_slice %arg3[%mul3A_2] : memref<320000xi32, #tpu.memory_space<hbm>> -> memref<10000xi32, #tpu.memory_space<hbm>>
    %dma_start3A_3 = tpu.memref_slice %arg3[%mul3A_2] : memref<320000xi32, #tpu.memory_space<hbm>> -> memref<10000xi32, #tpu.memory_space<hbm>>
    tpu.enqueue_dma source(%dma_start3A_3 : memref<10000xi32, #tpu.memory_space<hbm>>) target(%arg8 : memref<10000xi32, #tpu.memory_space<vmem>>) target_semaphore(%arg10 : memref<!tpu.dma_semaphore, #tpu.memory_space<semaphore_mem>>)
    %mul3A_4 = arith.constant 10000 : i32
    %mul3A_5 = arith.muli %add3A, %mul3A_4 : i32
    %dma_start3A_6 = tpu.memref_slice %arg4[%mul3A_5] : memref<320000xf32, #tpu.memory_space<hbm>> -> memref<10000xf32, #tpu.memory_space<hbm>>
    %dma_start3A_7 = tpu.memref_slice %arg4[%mul3A_5] : memref<320000xf32, #tpu.memory_space<hbm>> -> memref<10000xf32, #tpu.memory_space<hbm>>
    tpu.enqueue_dma source(%dma_start3A_7 : memref<10000xf32, #tpu.memory_space<hbm>>) target(%arg9 : memref<10000xf32, #tpu.memory_space<vmem>>) target_semaphore(%arg10 : memref<!tpu.dma_semaphore, #tpu.memory_space<semaphore_mem>>)
    %broadcast_in_dim3A = arith.constant 0.000000e+00 : f32
    %broadcast_in_dim3A_8 = vector.broadcast %broadcast_in_dim3A : f32 to vector<16xf32>
    %scan3A = arith.constant 0 : i32
    %scan3A_9 = arith.constant 0 : i32
    %scan3A_10 = arith.constant 640 : i32
    %scan3A_11 = arith.addi %scan3A_9, %scan3A_10 : i32
    %scan3A_12 = arith.constant 1 : i32
    %scan3A_13 = scf.for %scan3A_24 = %scan3A_9 to %scan3A_11 step %scan3A_12 iter_args(%scan3A_25 = %scan3A) -> (i32)  : i32 {
      %mul3A_26 = arith.constant 16 : i32
      %mul3A_27 = arith.muli %scan3A_24, %mul3A_26 : i32
      %swap3A = arith.index_cast %mul3A_27 : i32 to index
      %swap3A_28 = tpu.vector_load %arg7[%swap3A] {strides = array<i32>} : memref<10240xf32, #tpu.memory_space<vmem>>, vector<16xf32>,
      tpu.vector_store %arg7[%swap3A], %broadcast_in_dim3A_8 {strides = array<i32>} : memref<10240xf32, #tpu.memory_space<vmem>>, vector<16xf32>,
      %scan3A_29 = arith.constant 0 : i32
      scf.yield %scan3A_29 : i32
    }
    %scan3A_14 = arith.constant 640 : i32
    tpu.wait_dma2 semaphore(%arg10 : memref<!tpu.dma_semaphore, #tpu.memory_space<semaphore_mem>>) src(%arg2 : memref<10240xf32, #tpu.memory_space<hbm>>) dst(%arg6 : memref<10240xf32, #tpu.memory_space<vmem>>)
    %dma_wait3A = arith.constant 0 : i32
    %dma_wait3A_15 = tpu.memref_slice %arg3[%dma_wait3A] : memref<320000xi32, #tpu.memory_space<hbm>> -> memref<10000xi32, #tpu.memory_space<hbm>>
    %dma_wait3A_16 = arith.constant 0 : i32
    %dma_wait3A_17 = tpu.memref_slice %arg3[%dma_wait3A_16] : memref<320000xi32, #tpu.memory_space<hbm>> -> memref<10000xi32, #tpu.memory_space<hbm>>
    tpu.wait_dma2 semaphore(%arg10 : memref<!tpu.dma_semaphore, #tpu.memory_space<semaphore_mem>>) src(%dma_wait3A_17 : memref<10000xi32, #tpu.memory_space<hbm>>) dst(%arg8 : memref<10000xi32, #tpu.memory_space<vmem>>)
    %dma_wait3A_18 = arith.constant 0 : i32
    %dma_wait3A_19 = tpu.memref_slice %arg4[%dma_wait3A_18] : memref<320000xf32, #tpu.memory_space<hbm>> -> memref<10000xf32, #tpu.memory_space<hbm>>
    %dma_wait3A_20 = arith.constant 0 : i32
    %dma_wait3A_21 = tpu.memref_slice %arg4[%dma_wait3A_20] : memref<320000xf32, #tpu.memory_space<hbm>> -> memref<10000xf32, #tpu.memory_space<hbm>>
    tpu.wait_dma2 semaphore(%arg10 : memref<!tpu.dma_semaphore, #tpu.memory_space<semaphore_mem>>) src(%dma_wait3A_21 : memref<10000xf32, #tpu.memory_space<hbm>>) dst(%arg9 : memref<10000xf32, #tpu.memory_space<vmem>>)
    %parallel_loop3A = arith.constant 0 : i32
    %parallel_loop3A_22 = arith.constant 10000 : i32
    %parallel_loop3A_23 = arith.constant 16 : i32
    scf.for %parallel_loop3A_24 = %parallel_loop3A to %parallel_loop3A_22 step %parallel_loop3A_23  : i32 {
      %parallel_loop3A_25 = arith.index_cast %parallel_loop3A_24 : i32 to index
      %parallel_loop3A_26 = tpu.vector_load %arg8[%parallel_loop3A_25] {strides = array<i32>} : memref<10000xi32, #tpu.memory_space<vmem>>, vector<16xi32>,
      %parallel_loop3A_27 = arith.constant 65535 : i32
      %parallel_loop3A_28 = vector.broadcast %parallel_loop3A_27 : i32 to vector<16xi32>
      %parallel_loop3A_29 = arith.andi %parallel_loop3A_26, %parallel_loop3A_28 : vector<16xi32>
      %parallel_loop3A_30 = arith.constant 16 : i32
      %parallel_loop3A_31 = vector.broadcast %parallel_loop3A_30 : i32 to vector<16xi32>
      %parallel_loop3A_32 = arith.shrsi %parallel_loop3A_26, %parallel_loop3A_31 : vector<16xi32>
      %parallel_loop3A_33 = arith.index_cast %parallel_loop3A_24 : i32 to index
      %parallel_loop3A_34 = tpu.vector_load %arg9[%parallel_loop3A_33] {strides = array<i32>} : memref<10000xf32, #tpu.memory_space<vmem>>, vector<16xf32>,
      %parallel_loop3A_35 = tpu.vector_load_idx %arg6[%parallel_loop3A_29] : memref<10240xf32, #tpu.memory_space<vmem>>[vector<16xi32>], vector<16xf32>,
      %parallel_loop3A_36 = arith.mulf %parallel_loop3A_35, %parallel_loop3A_34 : vector<16xf32>
      tpu.vector_store_idx %arg7[%parallel_loop3A_32], %parallel_loop3A_36 {add = true} : memref<10240xf32, #tpu.memory_space<vmem>>[vector<16xi32>], vector<16xf32>,
    } {sc.loop_unroll_factor = 4 : i64, sc.parallel_access}
    "tpu.region"() ({
      %run_scoped3A = tpu.sem_alloc : memref<!tpu.dma_semaphore, #tpu.memory_space<semaphore_mem>>
      %dma_start3A_24 = arith.constant 0 : i32
      %dma_start3A_25 = tpu.memref_slice %arg5[%add3A, %dma_start3A_24] : memref<32x10240xf32, #tpu.memory_space<hbm>> -> memref<1x10240xf32, #tpu.memory_space<hbm>>
      %dma_start3A_26 = tpu.memref_squeeze %dma_start3A_25 : memref<1x10240xf32, #tpu.memory_space<hbm>> -> memref<10240xf32, #tpu.memory_space<hbm>>
      %dma_start3A_27 = arith.constant 0 : i32
      %dma_start3A_28 = tpu.memref_slice %arg5[%add3A, %dma_start3A_27] : memref<32x10240xf32, #tpu.memory_space<hbm>> -> memref<1x10240xf32, #tpu.memory_space<hbm>>
      %dma_start3A_29 = tpu.memref_squeeze %dma_start3A_28 : memref<1x10240xf32, #tpu.memory_space<hbm>> -> memref<10240xf32, #tpu.memory_space<hbm>>
      tpu.enqueue_dma source(%arg7 : memref<10240xf32, #tpu.memory_space<vmem>>) target(%dma_start3A_29 : memref<10240xf32, #tpu.memory_space<hbm>>) target_semaphore(%run_scoped3A : memref<!tpu.dma_semaphore, #tpu.memory_space<semaphore_mem>>)
      %dma_wait3A_30 = arith.constant 0 : i32
      %dma_wait3A_31 = tpu.memref_slice %arg5[%add3A, %dma_wait3A_30] : memref<32x10240xf32, #tpu.memory_space<hbm>> -> memref<1x10240xf32, #tpu.memory_space<hbm>>
      %dma_wait3A_32 = tpu.memref_squeeze %dma_wait3A_31 : memref<1x10240xf32, #tpu.memory_space<hbm>> -> memref<10240xf32, #tpu.memory_space<hbm>>
      %dma_wait3A_33 = arith.constant 0 : i32
      %dma_wait3A_34 = tpu.memref_slice %arg5[%add3A, %dma_wait3A_33] : memref<32x10240xf32, #tpu.memory_space<hbm>> -> memref<1x10240xf32, #tpu.memory_space<hbm>>
      %dma_wait3A_35 = tpu.memref_squeeze %dma_wait3A_34 : memref<1x10240xf32, #tpu.memory_space<hbm>> -> memref<10240xf32, #tpu.memory_space<hbm>>
      tpu.wait_dma2 semaphore(%run_scoped3A : memref<!tpu.dma_semaphore, #tpu.memory_space<semaphore_mem>>) src(%arg7 : memref<10240xf32, #tpu.memory_space<vmem>>) dst(%dma_wait3A_35 : memref<10240xf32, #tpu.memory_space<hbm>>)
      tpu.yield
    }) : () -> ()
    return
  }
}

module attributes {stable_mosaic.version = 14 : i64} {
  func.func @_tc1_body(%arg0: i32, %arg1: memref<2048x128xf32, #tpu.memory_space<vmem>>, %arg2: memref<128x64xf32, #tpu.memory_space<vmem>>, %arg3: memref<32x2048xf32, #tpu.memory_space<vmem>>, %arg4: memref<64x2048xf32, #tpu.memory_space<vmem>>, %arg5: memref<32x2048xf32, #tpu.memory_space<vmem>>, %arg6: memref<2048xf32, #tpu.memory_space<vmem>>) attributes {dimension_semantics = [#tpu.dimension_semantics<arbitrary>], iteration_bounds = array<i64: 5>, scalar_prefetch = 0 : i64, scratch_operands = 0 : i64, tpu.core_type = #tpu.core_type<tc>, window_params = [{transform_indices = @transform_0, window_bounds = array<i64: 2048, 128>}, {pipeline_mode = #tpu.pipeline_mode<synchronous>, transform_indices = @transform_1, window_bounds = array<i64: 128, 64>}, {transform_indices = @transform_2, window_bounds = array<i64: 32, 2048>}, {transform_indices = @transform_3, window_bounds = array<i64: 64, 2048>}, {transform_indices = @transform_4, window_bounds = array<i64: 32, 2048>}, {transform_indices = @transform_5, window_bounds = array<i64: 2048>}]} {
    %get3A = arith.constant 0 : index
    %get3A_0 = arith.constant 0 : index
    %get3A_1 = vector.load %arg1[%get3A, %get3A_0] : memref<2048x128xf32, #tpu.memory_space<vmem>>, vector<2048x128xf32>
    %get3A_2 = arith.constant 0 : index
    %get3A_3 = arith.constant 0 : index
    %get3A_4 = vector.load %arg2[%get3A_2, %get3A_3] : memref<128x64xf32, #tpu.memory_space<vmem>>, vector<128x64xf32>
    %dot_general3A = arith.constant dense<0.000000e+00> : vector<64x2048xf32>
    %dot_general3A_5 = tpu.matmul %get3A_4, %get3A_1, %dot_general3A {dimension_numbers = #tpu.dot_dimension_numbers<[0], [1], [1], [0], [0, 1, 1, 0], [], []>, transpose_lhs_hint = false} : vector<128x64xf32>, vector<2048x128xf32>, vector<64x2048xf32> -> vector<64x2048xf32>
    %get3A_6 = arith.constant 0 : index
    %get3A_7 = arith.constant 0 : index
    %get3A_8 = vector.load %arg3[%get3A_6, %get3A_7] : memref<32x2048xf32, #tpu.memory_space<vmem>>, vector<32x2048xf32>
    %reduce_sum3A = arith.constant dense<0.000000e+00> : vector<2048xf32>
    %reduce_sum3A_9 = vector.multi_reduction <add>, %get3A_8, %reduce_sum3A [0] : vector<32x2048xf32> to vector<2048xf32>
    %add3A = arith.constant 1.000000e+00 : f32
    %add3A_10 = vector.broadcast %add3A : f32 to vector<2048xf32>
    %add3A_11 = arith.addf %reduce_sum3A_9, %add3A_10 : vector<2048xf32>
    %rsqrt3A = math.rsqrt %add3A_11 : vector<2048xf32>
    %swap3A = arith.constant 0 : index
    %swap3A_12 = vector.load %arg6[%swap3A] : memref<2048xf32, #tpu.memory_space<vmem>>, vector<2048xf32>
    tpu.vector_store %arg6[%swap3A], %rsqrt3A {strides = array<i32>} : memref<2048xf32, #tpu.memory_space<vmem>>, vector<2048xf32>,
    %broadcast_in_dim3A = vector.shape_cast %rsqrt3A : vector<2048xf32> to vector<1x2048xf32>
    %mul3A = vector.broadcast %broadcast_in_dim3A : vector<1x2048xf32> to vector<64x2048xf32>
    %mul3A_13 = arith.mulf %dot_general3A_5, %mul3A : vector<64x2048xf32>
    %swap3A_14 = arith.constant 0 : index
    %swap3A_15 = arith.constant 0 : index
    %swap3A_16 = vector.load %arg4[%swap3A_14, %swap3A_15] : memref<64x2048xf32, #tpu.memory_space<vmem>>, vector<64x2048xf32>
    tpu.vector_store %arg4[%swap3A_14, %swap3A_15], %mul3A_13 {strides = array<i32>} : memref<64x2048xf32, #tpu.memory_space<vmem>>, vector<64x2048xf32>,
    %convert_element_type3A = arith.truncf %mul3A_13 : vector<64x2048xf32> to vector<64x2048xbf16>
    %bitcast_convert_type3A = tpu.bitcast %convert_element_type3A : vector<64x2048xbf16> -> vector<64x2048xi16>
    %convert_element_type3A_17 = arith.extui %bitcast_convert_type3A : vector<64x2048xi16> to vector<64x2048xi32>
    %reshape3A = vector.shape_cast %convert_element_type3A_17 : vector<64x2048xi32> to vector<32x2x2048xi32>
    %slice3A = vector.extract_strided_slice %reshape3A {offsets = [0, 1, 0], sizes = [32, 1, 2048], strides = [1, 1, 1]} : vector<32x2x2048xi32> to vector<32x1x2048xi32>
    %squeeze3A = vector.shape_cast %slice3A : vector<32x1x2048xi32> to vector<32x2048xi32>
    %shift_left3A = arith.constant 16 : i32
    %shift_left3A_18 = vector.broadcast %shift_left3A : i32 to vector<32x2048xi32>
    %shift_left3A_19 = arith.shli %squeeze3A, %shift_left3A_18 : vector<32x2048xi32>
    %slice3A_20 = vector.extract_strided_slice %reshape3A {offsets = [0, 0, 0], sizes = [32, 1, 2048], strides = [1, 1, 1]} : vector<32x2x2048xi32> to vector<32x1x2048xi32>
    %squeeze3A_21 = vector.shape_cast %slice3A_20 : vector<32x1x2048xi32> to vector<32x2048xi32>
    %or3A = arith.ori %shift_left3A_19, %squeeze3A_21 : vector<32x2048xi32>
    %bitcast_convert_type3A_22 = tpu.bitcast %or3A : vector<32x2048xi32> -> vector<32x2048xf32>
    %swap3A_23 = arith.constant 0 : index
    %swap3A_24 = arith.constant 0 : index
    %swap3A_25 = vector.load %arg5[%swap3A_23, %swap3A_24] : memref<32x2048xf32, #tpu.memory_space<vmem>>, vector<32x2048xf32>
    tpu.vector_store %arg5[%swap3A_23, %swap3A_24], %bitcast_convert_type3A_22 {strides = array<i32>} : memref<32x2048xf32, #tpu.memory_space<vmem>>, vector<32x2048xf32>,
    return
  }
  func.func @transform_0(%arg0: i32) -> (i32, i32) {
    %c0_i32 = arith.constant 0 : i32
    %c0_i32_0 = arith.constant 0 : i32
    return %arg0, %c0_i32 : i32, i32
  }
  func.func @transform_1(%arg0: i32) -> (i32, i32) {
    %c0_i32 = arith.constant 0 : i32
    %c0_i32_0 = arith.constant 0 : i32
    %c0_i32_1 = arith.constant 0 : i32
    return %c0_i32, %c0_i32_0 : i32, i32
  }
  func.func @transform_2(%arg0: i32) -> (i32, i32) {
    %c0_i32 = arith.constant 0 : i32
    %c0_i32_0 = arith.constant 0 : i32
    return %c0_i32, %arg0 : i32, i32
  }
  func.func @transform_3(%arg0: i32) -> (i32, i32) {
    %c0_i32 = arith.constant 0 : i32
    %c0_i32_0 = arith.constant 0 : i32
    return %c0_i32, %arg0 : i32, i32
  }
  func.func @transform_4(%arg0: i32) -> (i32, i32) {
    %c0_i32 = arith.constant 0 : i32
    %c0_i32_0 = arith.constant 0 : i32
    return %c0_i32, %arg0 : i32, i32
  }
  func.func @transform_5(%arg0: i32) -> i32 {
    %c0_i32 = arith.constant 0 : i32
    return %arg0 : i32
  }
}

module attributes {stable_mosaic.version = 14 : i64} {
  func.func @_tc2_body(%arg0: i32, %arg1: memref<2x64x2048xf32, #tpu.memory_space<vmem>>, %arg2: memref<64x2048xf32, #tpu.memory_space<vmem>>, %arg3: memref<2048xf32, #tpu.memory_space<vmem>>, %arg4: memref<64x1xf32, #tpu.memory_space<vmem>>, %arg5: memref<64x1xf32, #tpu.memory_space<vmem>>, %arg6: memref<2048xf32, #tpu.memory_space<vmem>>) attributes {dimension_semantics = [#tpu.dimension_semantics<arbitrary>], iteration_bounds = array<i64: 5>, scalar_prefetch = 0 : i64, scratch_operands = 0 : i64, tpu.core_type = #tpu.core_type<tc>, window_params = [{transform_indices = @transform_0, window_bounds = array<i64: 2, 64, 2048>}, {transform_indices = @transform_1, window_bounds = array<i64: 64, 2048>}, {transform_indices = @transform_2, window_bounds = array<i64: 2048>}, {pipeline_mode = #tpu.pipeline_mode<synchronous>, transform_indices = @transform_3, window_bounds = array<i64: 64, 1>}, {pipeline_mode = #tpu.pipeline_mode<synchronous>, transform_indices = @transform_4, window_bounds = array<i64: 64, 1>}, {transform_indices = @transform_5, window_bounds = array<i64: 2048>}]} {
    %get3A = arith.constant 0 : index
    %get3A_0 = vector.load %arg3[%get3A] : memref<2048xf32, #tpu.memory_space<vmem>>, vector<2048xf32>
    %get3A_1 = arith.constant 0 : index
    %get3A_2 = arith.constant 0 : index
    %get3A_3 = arith.constant 0 : index
    %get3A_4 = vector.load %arg1[%get3A_1, %get3A_2, %get3A_3] : memref<2x64x2048xf32, #tpu.memory_space<vmem>>, vector<1x64x2048xf32>
    %get3A_5 = vector.shape_cast %get3A_4 : vector<1x64x2048xf32> to vector<64x2048xf32>
    %get3A_6 = arith.constant 1 : index
    %get3A_7 = arith.constant 0 : index
    %get3A_8 = arith.constant 0 : index
    %get3A_9 = vector.load %arg1[%get3A_6, %get3A_7, %get3A_8] : memref<2x64x2048xf32, #tpu.memory_space<vmem>>, vector<1x64x2048xf32>
    %get3A_10 = vector.shape_cast %get3A_9 : vector<1x64x2048xf32> to vector<64x2048xf32>
    %add3A = arith.addf %get3A_5, %get3A_10 : vector<64x2048xf32>
    %get3A_11 = arith.constant 0 : index
    %get3A_12 = arith.constant 0 : index
    %get3A_13 = vector.load %arg2[%get3A_11, %get3A_12] : memref<64x2048xf32, #tpu.memory_space<vmem>>, vector<64x2048xf32>
    %add3A_14 = arith.addf %add3A, %get3A_13 : vector<64x2048xf32>
    %broadcast_in_dim3A = vector.shape_cast %get3A_0 : vector<2048xf32> to vector<1x2048xf32>
    %mul3A = vector.broadcast %broadcast_in_dim3A : vector<1x2048xf32> to vector<64x2048xf32>
    %mul3A_15 = arith.mulf %add3A_14, %mul3A : vector<64x2048xf32>
    %get3A_16 = arith.constant 0 : index
    %get3A_17 = arith.constant 0 : index
    %get3A_18 = vector.load %arg4[%get3A_16, %get3A_17] : memref<64x1xf32, #tpu.memory_space<vmem>>, vector<64x1xf32>
    %add3A_19 = vector.broadcast %get3A_18 : vector<64x1xf32> to vector<64x2048xf32>
    %add3A_20 = arith.addf %mul3A_15, %add3A_19 : vector<64x2048xf32>
    %gt3A = arith.constant 0.000000e+00 : f32
    %gt3A_21 = vector.broadcast %gt3A : f32 to vector<64x2048xf32>
    %gt3A_22 = arith.cmpf ogt, %add3A_20, %gt3A_21 : vector<64x2048xf32>
    %min3A = arith.constant 0.000000e+00 : f32
    %min3A_23 = vector.broadcast %min3A : f32 to vector<64x2048xf32>
    %min3A_24 = arith.minimumf %add3A_20, %min3A_23 : vector<64x2048xf32>
    %exp3A = math.exp %min3A_24 : vector<64x2048xf32>
    %sub3A = arith.constant 1.000000e+00 : f32
    %sub3A_25 = vector.broadcast %sub3A : f32 to vector<64x2048xf32>
    %sub3A_26 = arith.subf %exp3A, %sub3A_25 : vector<64x2048xf32>
    %select_n3A = arith.select %gt3A_22, %add3A_20, %sub3A_26 : vector<64x2048xi1>, vector<64x2048xf32>
    %get3A_27 = arith.constant 0 : index
    %get3A_28 = arith.constant 0 : index
    %get3A_29 = vector.load %arg5[%get3A_27, %get3A_28] : memref<64x1xf32, #tpu.memory_space<vmem>>, vector<64x1xf32>
    %mul3A_30 = vector.broadcast %get3A_29 : vector<64x1xf32> to vector<64x2048xf32>
    %mul3A_31 = arith.mulf %select_n3A, %mul3A_30 : vector<64x2048xf32>
    %reduce_sum3A = arith.constant dense<0.000000e+00> : vector<2048xf32>
    %reduce_sum3A_32 = vector.multi_reduction <add>, %mul3A_31, %reduce_sum3A [0] : vector<64x2048xf32> to vector<2048xf32>
    %mul3A_33 = arith.mulf %reduce_sum3A_32, %get3A_0 : vector<2048xf32>
    %swap3A = arith.constant 0 : index
    %swap3A_34 = vector.load %arg6[%swap3A] : memref<2048xf32, #tpu.memory_space<vmem>>, vector<2048xf32>
    tpu.vector_store %arg6[%swap3A], %mul3A_33 {strides = array<i32>} : memref<2048xf32, #tpu.memory_space<vmem>>, vector<2048xf32>,
    return
  }
  func.func @transform_0(%arg0: i32) -> (i32, i32, i32) {
    %c0_i32 = arith.constant 0 : i32
    %c0_i32_0 = arith.constant 0 : i32
    %c0_i32_1 = arith.constant 0 : i32
    return %c0_i32, %c0_i32_0, %arg0 : i32, i32, i32
  }
  func.func @transform_1(%arg0: i32) -> (i32, i32) {
    %c0_i32 = arith.constant 0 : i32
    %c0_i32_0 = arith.constant 0 : i32
    return %c0_i32, %arg0 : i32, i32
  }
  func.func @transform_2(%arg0: i32) -> i32 {
    %c0_i32 = arith.constant 0 : i32
    return %arg0 : i32
  }
  func.func @transform_3(%arg0: i32) -> (i32, i32) {
    %c0_i32 = arith.constant 0 : i32
    %c0_i32_0 = arith.constant 0 : i32
    %c0_i32_1 = arith.constant 0 : i32
    return %c0_i32, %c0_i32_0 : i32, i32
  }
  func.func @transform_4(%arg0: i32) -> (i32, i32) {
    %c0_i32 = arith.constant 0 : i32
    %c0_i32_0 = arith.constant 0 : i32
    %c0_i32_1 = arith.constant 0 : i32
    return %c0_i32, %c0_i32_0 : i32, i32
  }
  func.func @transform_5(%arg0: i32) -> i32 {
    %c0_i32 = arith.constant 0 : i32
    return %arg0 : i32
  }
}

module attributes {stable_mosaic.version = 14 : i64} {
  func.func @_tc3_body(%arg0: i32, %arg1: memref<32x2048xf32, #tpu.memory_space<vmem>>, %arg2: memref<2048xf32, #tpu.memory_space<vmem>>, %arg3: memref<2048xf32, #tpu.memory_space<vmem>>, %arg4: memref<1x1xf32, #tpu.memory_space<vmem>>, %arg5: memref<2048xf32, #tpu.memory_space<vmem>>) attributes {dimension_semantics = [#tpu.dimension_semantics<arbitrary>], iteration_bounds = array<i64: 5>, scalar_prefetch = 0 : i64, scratch_operands = 0 : i64, tpu.core_type = #tpu.core_type<tc>, window_params = [{transform_indices = @transform_0, window_bounds = array<i64: 32, 2048>}, {transform_indices = @transform_1, window_bounds = array<i64: 2048>}, {transform_indices = @transform_2, window_bounds = array<i64: 2048>}, {pipeline_mode = #tpu.pipeline_mode<synchronous>, transform_indices = @transform_3, window_bounds = array<i64: 1, 1>}, {transform_indices = @transform_4, window_bounds = array<i64: 2048>}]} {
    %get3A = arith.constant 0 : index
    %get3A_0 = arith.constant 0 : index
    %get3A_1 = vector.load %arg1[%get3A, %get3A_0] : memref<32x2048xf32, #tpu.memory_space<vmem>>, vector<32x2048xf32>
    %reduce_sum3A = arith.constant dense<0.000000e+00> : vector<2048xf32>
    %reduce_sum3A_2 = vector.multi_reduction <add>, %get3A_1, %reduce_sum3A [0] : vector<32x2048xf32> to vector<2048xf32>
    %get3A_3 = arith.constant 0 : index
    %get3A_4 = vector.load %arg2[%get3A_3] : memref<2048xf32, #tpu.memory_space<vmem>>, vector<2048xf32>
    %add3A = arith.addf %reduce_sum3A_2, %get3A_4 : vector<2048xf32>
    %get3A_5 = arith.constant 0 : index
    %get3A_6 = vector.load %arg3[%get3A_5] : memref<2048xf32, #tpu.memory_space<vmem>>, vector<2048xf32>
    %mul3A = arith.mulf %add3A, %get3A_6 : vector<2048xf32>
    %get3A_7 = arith.constant 0 : index
    %get3A_8 = arith.constant 0 : index
    %get3A_9 = vector.load %arg4[%get3A_7, %get3A_8] : memref<1x1xf32, #tpu.memory_space<vmem>>, vector<1x1xf32>
    %get3A_10 = vector.extract %get3A_9[0, 0] : f32 from vector<1x1xf32>
    %add3A_11 = vector.broadcast %get3A_10 : f32 to vector<2048xf32>
    %add3A_12 = arith.addf %mul3A, %add3A_11 : vector<2048xf32>
    %neg3A = arith.constant 0.000000e+00 : f32
    %neg3A_13 = vector.broadcast %neg3A : f32 to vector<2048xf32>
    %neg3A_14 = arith.subf %neg3A_13, %add3A_12 : vector<2048xf32>
    %exp3A = math.exp %neg3A_14 : vector<2048xf32>
    %add3A_15 = arith.constant 1.000000e+00 : f32
    %add3A_16 = vector.broadcast %add3A_15 : f32 to vector<2048xf32>
    %add3A_17 = arith.addf %add3A_16, %exp3A : vector<2048xf32>
    %div3A = arith.constant 1.000000e+00 : f32
    %div3A_18 = vector.broadcast %div3A : f32 to vector<2048xf32>
    %div3A_19 = arith.divf %div3A_18, %add3A_17 : vector<2048xf32>
    %swap3A = arith.constant 0 : index
    %swap3A_20 = vector.load %arg5[%swap3A] : memref<2048xf32, #tpu.memory_space<vmem>>, vector<2048xf32>
    tpu.vector_store %arg5[%swap3A], %div3A_19 {strides = array<i32>} : memref<2048xf32, #tpu.memory_space<vmem>>, vector<2048xf32>,
    return
  }
  func.func @transform_0(%arg0: i32) -> (i32, i32) {
    %c0_i32 = arith.constant 0 : i32
    %c0_i32_0 = arith.constant 0 : i32
    return %c0_i32, %arg0 : i32, i32
  }
  func.func @transform_1(%arg0: i32) -> i32 {
    %c0_i32 = arith.constant 0 : i32
    return %arg0 : i32
  }
  func.func @transform_2(%arg0: i32) -> i32 {
    %c0_i32 = arith.constant 0 : i32
    return %arg0 : i32
  }
  func.func @transform_3(%arg0: i32) -> (i32, i32) {
    %c0_i32 = arith.constant 0 : i32
    %c0_i32_0 = arith.constant 0 : i32
    %c0_i32_1 = arith.constant 0 : i32
    return %c0_i32, %c0_i32_0 : i32, i32
  }
  func.func @transform_4(%arg0: i32) -> i32 {
    %c0_i32 = arith.constant 0 : i32
    return %arg0 : i32
  }
}

</mosaic_0001>

<sc_bundles>
// kernel: kernel.11.cloned.1.call-start
scs
__scs_entry_jumppad:
0x0: {  	(pc) =	sbr.rel $0x88, $3  }
0x1: {  	(tag) =	ssettag $0x0;
	lr =	simm.s32 $0x1  }
0x2: {  	[smem:$0x3F9A] =	sst lr;
	_ =	strace $0xD0000000  }
0x3: {  	_ = 	snop  }
0x4: {  	_ = 	snop  }
0x5: {  	_ = 	snop  }
0x6: {  	_ = 	snop  }
0x7: {  	_ = 	snop  }
__scs_overlays_trampoline_lowered:
0x8: {  	[smem:$0x3FA9] =	sst s0  }
0x9: {  	[smem:$0x3FAA] =	sst s1  }
0xa: {  	[smem:$0x3FAB] =	sst s2  }
0xb: {  	[smem:$0x3FAC] =	sst s3  }
0xc: {  	[smem:$0x3FAD] =	sst s4  }
0xd: {  	[smem:$0x3FAE] =	sst s5  }
0xe: {  	[smem:$0x3FAF] =	sst s6  }
0xf: {  	[smem:$0x3FB0] =	sst s7  }
0x10: {  	[smem:$0x3FB1] =	sst s8  }
0x11: {  	[smem:$0x3FB2] =	sst s9;
	s0 =	simm.s32 @!p0 $0x0  }
0x12: {  	s1 =	sld [smem:$0x3F98];
	s0 =	simm.s32 @p0 $0x1  }
0x13: {  	[smem:$0x3FB3] =	sst s0;
	s0 =	simm.s32 @!p1 $0x0  }
0x14: {  	s2 =	sld [smem:$0x3F97];
	s0 =	simm.s32 @p1 $0x1  }
0x15: {  	[smem:$0x3FB4] =	sst s0;
	s0 =	simm.s32 @!p2 $0x0  }
0x16: {  	s3 =	sld [smem:$0x3FDB];
	s0 =	simm.s32 @p2 $0x1  }
0x17: {  	s4 =	simm.s32 $0x1BF5;
	[smem:$0x3FB6] =	sst s0  }
0x18: {  	s0 =	sld [smem:$0x3F99];
	_ =	swait.ge [sflag:s4], $0x0  }
0x19: {  	s7 =	sld [smem:$0x3F9A]  }
0x1a: {  	s8 =	sadd.s32 $0xFFFFE003, lr  }
0x1b: {  	s9 =	sadd.s32 $0xFFFFFEF7, lr;
	s5 =	simm.s32 $0xFFFFFFFF;
	p2 =	slt.u32 s8, $0xFFFFF086  }
0x1c: {  	p1 =	slt.u32 s9, $0xF7A;
	s5 =	simm.s32 @!p2 $0x0  }
0x1d: {  	s5 =	simm.s32 @p1 $0x1;
	p0 =	seq.s32 s7, s2  }
0x1e: {  	s7 =	smul.u32 @!p0 $0xF7A, s2;
	p2 =	seq.s32 @!p0 s5, $0x0  }
0x1f: {  	s9 =	smul.u32 $0xF7A, s1;
	s8 =	simm.s32 @!p0 $0x1BF5;
	p2 =	por !p2, p0  }
0x20: {  	[sflag:s8] =	ssyncset.s32 @!p0 $0xFFFFF086;
	s6 =	sadd.s32 @!p0 s3, s7;
	s7 =	simm.s32 @!p0 $0x108  }
0x21: {  	s3 =	sadd.s32 s3, s9;
	s6 =	sadd.s32 @!p0 $0x88, s6;
	s7 =	simm.s32 @p2 $0x1082  }
0x22: {  	[simem:s7], [sflag:s8] =	dma.local @!p0 [hbm:s6], $0xF7A  }
0x23: {  	s9 =	sor.u32 $0xD0000000, s2;
	s6 =	simm.s32 $0x108;
	_ =	swait.ge @!p0 [sflag:s8], $0x0  }
0x24: {  	s3 =	sadd.s32 $0x88, s3;
	s6 =	simm.s32 @!p1 $0x1082;
	[sflag:s4] =	ssyncset.s32 $0xFFFFF086  }
0x25: {  	[simem:s6], [sflag:s4] =	dma.local [hbm:s3], $0xF7A  }
0x26: {  	[smem:$0x3F9A] =	sst s1;
	(tag) =	ssettag s2;
	_ =	strace s9  }
0x27: {  	s1 =	sld [smem:$0x3FAA]  }
0x28: {  	s2 =	sld [smem:$0x3FAB]  }
0x29: {  	s4 =	sld [smem:$0x3FAD]  }
0x2a: {  	p0 =	seq.s32 s5, $0x0;
	s5 =	sld [smem:$0x3FAE]  }
0x2b: {  	s6 =	sld [smem:$0x3FAF]  }
0x2c: {  	s7 =	sld [smem:$0x3FB0]  }
0x2d: {  	s3 =	simm.s32 $0x108;
	s8 =	sld [smem:$0x3FB1]  }
0x2e: {  	s3 =	simm.s32 @!p0 $0x1082;
	s9 =	sld [smem:$0x3FB2]  }
0x2f: {  	lr =	sadd.s32 s0, s3;
	s0 =	sld [smem:$0x3FA9]  }
0x30: {  	s3 =	sld [smem:$0x3FAC]  }
0x31: {  	[smem:$0x3FB5] =	sst s10  }
0x32: {  	s10 =	sld [smem:$0x3FB3];
	_ =	sdelay $0x3  }
0x33: {  	p0 =	seq.s32 s10, $0x1;
	s10 =	sld [smem:$0x3FB5];
	_ =	sdelay $0x3  }
0x34: {  	[smem:$0x3FB5] =	sst s10  }
0x35: {  	s10 =	sld [smem:$0x3FB4];
	_ =	sdelay $0x3  }
0x36: {  	p1 =	seq.s32 s10, $0x1;
	s10 =	sld [smem:$0x3FB5];
	_ =	sdelay $0x3  }
0x37: {  	[smem:$0x3FB5] =	sst s10  }
0x38: {  	s10 =	sld [smem:$0x3FB6]  }
0x39: {  	_ = 	snop;
	(pc) =	sbr.ind lr, $3  }
0x3a: {  	_ = 	snop  }
0x3b: {  	_ = 	snop  }
0x3c: {  	p2 =	seq.s32 s10, $0x1;
	s10 =	sld [smem:$0x3FB5]  }
0x3d: {  	_ =	shalt  }
0x3e: {  	_ =	shalt  }
0x3f: {  	_ =	shalt  }
0x40: {  	_ =	shalt  }
0x41: {  	_ =	shalt  }
0x42: {  	_ =	shalt  }
0x43: {  	_ =	shalt  }
0x44: {  	_ =	shalt  }
0x45: {  	_ =	shalt  }
0x46: {  	_ =	shalt  }
0x47: {  	_ =	shalt  }
0x48: {  	_ =	shalt  }
0x49: {  	_ =	shalt  }
0x4a: {  	_ =	shalt  }
0x4b: {  	_ =	shalt  }
0x4c: {  	_ =	shalt  }
0x4d: {  	_ =	shalt  }
0x4e: {  	_ =	shalt  }
0x4f: {  	_ =	shalt  }
0x50: {  	_ =	shalt  }
0x51: {  	_ =	shalt  }
0x52: {  	_ =	shalt  }
0x53: {  	_ =	shalt  }
0x54: {  	_ =	shalt  }
0x55: {  	_ =	shalt  }
0x56: {  	_ =	shalt  }
0x57: {  	_ =	shalt  }
0x58: {  	_ =	shalt  }
0x59: {  	_ =	shalt  }
0x5a: {  	_ =	shalt  }
0x5b: {  	_ =	shalt  }
0x5c: {  	_ =	shalt  }
0x5d: {  	_ =	shalt  }
0x5e: {  	_ =	shalt  }
0x5f: {  	_ =	shalt  }
0x60: {  	_ =	shalt  }
0x61: {  	_ =	shalt  }
0x62: {  	_ =	shalt  }
0x63: {  	_ =	shalt  }
0x64: {  	_ =	shalt  }
0x65: {  	_ =	shalt  }
0x66: {  	_ =	shalt  }
0x67: {  	_ =	shalt  }
0x68: {  	_ =	shalt  }
0x69: {  	_ =	shalt  }
0x6a: {  	_ =	shalt  }
0x6b: {  	_ =	shalt  }
0x6c: {  	_ =	shalt  }
0x6d: {  	_ =	shalt  }
0x6e: {  	_ =	shalt  }
0x6f: {  	_ =	shalt  }
0x70: {  	_ =	shalt  }
0x71: {  	_ =	shalt  }
0x72: {  	_ =	shalt  }
0x73: {  	_ =	shalt  }
0x74: {  	_ =	shalt  }
0x75: {  	_ =	shalt  }
0x76: {  	_ =	shalt  }
0x77: {  	_ =	shalt  }
0x78: {  	_ =	shalt  }
0x79: {  	_ =	shalt  }
0x7a: {  	_ =	shalt  }
0x7b: {  	_ =	shalt  }
0x7c: {  	_ =	shalt  }
0x7d: {  	_ =	shalt  }
0x7e: {  	_ =	shalt  }
0x7f: {  	_ =	shalt  }
0x80: {  	_ =	shalt  }
0x81: {  	_ =	shalt  }
0x82: {  	_ =	shalt  }
0x83: {  	_ =	shalt  }
0x84: {  	_ =	shalt  }
0x85: {  	_ =	shalt  }
0x86: {  	_ =	shalt  }
0x87: {  	_ =	shalt  }
.Lfunc_end0:
.L_simem_size_0:
called_computation.1_lowered:
.L_overlay_start_0:
0x88: {  	s2 =	sld [smem:$0x3FD9]  }
0x89: {  	s3 =	sld [smem:$0x3FFE];
	_ =	sdelay $0x1  }
0x8a: {  	s1 =	srdreg.scid  }
0x8b: {  	s0 =	sand.u32 $0x1, s1  }
0x8c: {  	s17 =	sshll.u32 s0, $0xA;
	s2 =	sadd.s32 s3, s2  }
0x8d: {  	s2 =	sadd.s32 s2, s17  }
0x8e: {  	[smem:$0x3FC1] =	sst s2  }
0x8f: {  	_ = 	snop  }
0x90: {  	s2 =	sld [smem:$0x3FC7];
	(tm) =	ssettm $0x1  }
0x91: {  	s18 =	sld [smem:$0x3FFB];
	_ =	sdelay $0x3  }
0x92: {  	_ =	strace s18  }
0x93: {  	s3 =	sld [smem:$0x3FFC];
	_ =	sdelay $0x3  }
0x94: {  	_ =	strace s3  }
0x95: {  	s3 =	sld [smem:$0x3FFD];
	_ =	sdelay $0x3  }
0x96: {  	_ =	strace s3  }
0x97: {  	_ =	strace $0x8FFFFFFF  }
0x98: {  	s19 =	sld [smem:$0x3FDB];
	_ =	sdelay $0x1  }
0x99: {  	s4 =	simm.s32 $_scs_section_size  }
0x9a: {  	s5 =	simm.s32 $_size__tile_overlayer_lowered;
	s6 =	simm.s32 $_tile_overlayer_lowered  }
0x9b: {  	s22 =	simm.s32 $0x1BFF;
	s21 =	sshll.u32 s6, $0x1;
	s3 =	sadd.s32 s4, s19  }
0x9c: {  	s7 =	simm.s32 $0x0;
	s20 =	sshll.u32 s5, $0x1;
	s5 =	sadd.s32 s21, s3  }
0x9d: {  	[timem:s7], [sflag:s22] =	dma.local [hbm:s5], s20  }
0x9e: {  	_ =	swait.ge [sflag:s22], s20  }
0x9f: {  	s4 =	ssub.s32 $0x0, s20;
	[sflag:s22] =	ssyncset.done $0x0  }
0xa0: {  	[sflag:s22] =	ssyncadd.s32 s4;
	_ =	sdelay $0x1  }
0xa1: {  	s23 =	simm.s32 $0x1B8B  }
0xa2: {  	_ =	swait.ge [sflag:s23], $0x1  }
0xa3: {  	[sflag:s23] =	ssyncset.done $0x0  }
0xa4: {  	s25 =	simm.s32 $0x1B8E;
	s24 =	sld [smem:$0x3FFE];
	[sflag:s23] =	ssyncadd.s32 $0xFFFFFFFF  }
0xa5: {  	s26 =	simm.s32 $execute0_lowered;
	[smem:$0x3FD2] =	sst s25  }
0xa6: {  	s5 =	sshll.u32 s26, $0x1;
	_ =	strace $0x80000049;
	[dreg:$0x1] =	wrdreg $0xFFFFFFFF  }
0xa7: {  	s28 =	simm.s32 $_size_execute0_lowered;
	s3 =	sadd.s32 s3, s5;
	[dreg:$0x0] =	wrdreg $0x0  }
0xa8: {  	s5 =	sshll.u32 s28, $0x1;
	[dreg:$0x2] =	wrdreg s3  }
0xa9: {  	[dreg:$0x3] =	wrdreg s5  }
0xaa: {  	[dreg:$0x4] =	wrdreg $0xC0  }
0xab: {  	_ =	task [dreg:s7], $0x5FFFF  }
0xac: {  	[dreg:$0x1] =	wrdreg $0xFFFFFFFF  }
0xad: {  	[dreg:$0x0] =	wrdreg $0x60  }
0xae: {  	[dreg:$0x2] =	wrdreg s24  }
0xaf: {  	[dreg:$0x3] =	wrdreg s2  }
0xb0: {  	[dreg:$0x4] =	wrdreg $0x9  }
0xb1: {  	_ =	task.clear_ibuf [dreg:s7], $0x5FFFF;
	_ =	strace $0x90000049  }
0xb2: {  	s29 =	simm.s32 $0x9;
	_ =	strace $0x8000004B  }
0xb3: {  	_ =	swait.ge [sflag:s29], $0x1  }
0xb4: {  	[sflag:s29] =	ssyncadd.s32 $0xFFFFFFFF  }
0xb5: {  	_ =	strace $0x9000004B  }
0xb6: {  	_ =	sfence  }
0xb7: {  	s30 =	sld [smem:$0x0];
	_ =	sdelay $0x2  }
0xb8: {  	s31 =	sshll.u32 s1, $0xD;
	s1 =	sshrl.u32 s1, $0x2  }
0xb9: {  	s3 =	sand.u32 $0x4000, s31;
	s1 =	sadd.s32 s1, s30  }
0xba: {  	s0 =	sor.u32 s3, s0;
	s1 =	sshll.u32 s1, $0x11  }
0xbb: {  	s0 =	sor.u32 s1, s0  }
0xbc: {  	s0 =	sadd.s32 $0x8F2B, s0  }
0xbd: {  	[sflag:s0] =	ssyncadd.remote.s32 $0x1  }
0xbe: {  	_ =	sfence.sel $0xFFFF  }
0xbf: {  	[dreg:$0x0] =	wrdreg $0xFFFFFFFF;
	(pc) =	sbr.abs _section_cstart, $3  }
0xc0: {  	[dreg:$0x1] =	wrdreg $0xFFFFFFFF  }
0xc1: {  	_ =	task.clear_ibuf [dreg:s7], $0x2FFFF;
	_ =	strace $0x9FFFFFFF  }
0xc2: {  	(tm) =	ssettm $0x7FFFFFFF  }
0xc3: {  	_ =	shalt  }
tec
execute0_lowered:
.L_overlay_start_1:
0x0: {  	(tag) =	ssettag $0x1  }
0x1: {  	s5 =	rddreg [dreg:$0x0]  }
0x2: {  	s2 =	rddreg [dreg:$0x1];
	s1 =	stileid.u32  }
0x3: {  	s0 =	rddreg [dreg:$0x2];
	s7 =	srdreg.scid  }
0x4: {  	s14 =	simm.s32 $0x100;
	s15 =	simm.s32 $0x400;
	s16 =	simm.s32 $0x3  }
0x5: {  	s17 =	simm.s32 $0xFC80;
	s18 =	simm.s32 $0x11580;
	s19 =	simm.s32 $0x1  }
0x6: {  	s20 =	simm.s32 $0x5000;
	s21 =	simm.s32 $0x2;
	s22 =	simm.s32 $0x200  }
0x7: {  	s23 =	simm.s32 $0x0;
	s3 =	sshrl.u32 s1, $0x2;
	s6 =	sshll.u32 s1, $0x8  }
0x8: {  	s7 =	sand.u32 $0x1, s7;
	s8 =	sshrl.u32 s1, $0x1;
	s4 =	smul.u32 $0x14000, s3  }
0x9: {  	s29 =	sshll.u32 s1, $0x9;
	s3 =	simm.s32 $0x0;
	s28 =	smul.u32 $0xA0000, s7  }
0xa: {  	s6 =	sand.u32 $0x300, s6;
	s8 =	smul.u32 $0x14000, s8;
	s30 =	sand.u32 $0x200, s29  }
0xb: {  	s10 =	smul.u32 $0x27100, s7;
	s7 =	ssub.s32 $0x2, s7;
	[smem:$0x7FF] =	sst s3  }
0xc: {  	s31 =	sshrl.u32 s7, $0x1;
	s4 =	sor.u32 s6, s4;
	_ =	strace $0x8000004A  }
0xd: {  	s6 =	sadd.s32 s28, s8;
	s11 =	sshrl.u32 s10, $0x3;
	s13 =	ssub.s32 s7, s31  }
0xe: {  	s8 =	sadd.s32 $0xC80, s10;
	s4 =	sshrl.u32 s4, $0x3;
	s6 =	sor.u32 s30, s6  }
0xf: {  	s9 =	sadd.s32 s4, s5;
	s4 =	sadd.s32 $0x16000, s5;
	s6 =	sshrl.u32 s6, $0x3  }
0x10: {  	s12 =	sadd.s32 s6, s5;
	s5 =	sadd.s32 s4, s11;
	s6 =	sadd.s32 s2, s11  }
0x11: {  	s7 =	sadd.s32 $0x2200, s9;
	s9 =	sadd.s32 $0x1900, s10;
	s11 =	smax.u32 s13, $0x1  }
0x12: {  	v0 =	vimm.f32 $0.0e+00;
	s13 =	simm.s32 $0x10900;
	s10 =	sadd.s32 $0x1FE00, s12;
	s12 =	simm.s32 $0xF000  }
.LBB2_1:
0x13: {  	[tilespmem:s12], [sflag:$0x1] =	stream.linear.gather [hbm4b:s5+s3], $0xC80, $0x38;
	[tilespmem:$0x12200] =	vst v63  }
0x14: {  	_ = 	snop  }
0x15: {  	[tilespmem:s13], [sflag:$0x1] =	stream.linear.gather [hbm4b:s6+s3], $0xC80, $0x38;
	[tilespmem:$0x12200] =	vst v63  }
0x16: {  	_ = 	snop  }
0x17: {  	[tilespmem:s3], [sflag:$0x3] =	stream.strided.gather [hbm4b:s7+s14], $0x5000, s15, s14, $0x38;
	[tilespmem:$0x12200] =	vst v63  }
0x18: {  	_ =	swait.ge [sflag:s16], $0x5000  }
0x19: {  	s24 =	sand.u32 $0x70, s3;
	s25 =	sand.u32 $0xFE00, s3;
	[sflag:s16] =	ssyncset.done $0x0  }
0x1a: {  	s26 =	sor.u32 s24, s25;
	[sflag:s16] =	ssyncadd.s32 $0xFFFFB000  }
0x1b: {  	[tilespmem:s26+$0x5180] =	vst v0  }
0x1c: {  	[tilespmem:s26+$0x5000] =	vst v0  }
0x1d: {  	s24 =	simm.s32 $0x10;
	s25 =	simm.s32 $0x0;
	[tilespmem:s26+$0x5080] =	vst v0  }
.LBB2_2:
0x1e: {  	s28 =	sand.u32 $0x70, s24;
	[tilespmem:s26+$0x5100] =	vst v0;
	s25 =	sadd.s32 $0x40, s25;
	p0 =	sne.s32 s24, $0x27F0  }
.Ltmp0:
0x1f: {  	s24 =	sadd.s32 $0x10, s24;
	s26 =	sand.u32 $0xFE00, s25;
	(pc) =	sbr.rel @p0 .LBB2_2-.Ltmp0, $4  }
0x20: {  	s26 =	sor.u32 s28, s26  }
0x21: {  	[tilespmem:s26+$0x5180] =	vst v0  }
0x22: {  	[tilespmem:s26+$0x5000] =	vst v0  }
0x23: {  	[tilespmem:s26+$0x5080] =	vst v0  }
0x24: {  	[tilespmem:s26+$0x5100] =	vst v0;
	s24 =	simm.s32 $0x0  }
.LBB2_4:
0x25: {  	s25 =	smul.u32 $0x1900, s24;
	_ =	sdelay $0x1  }
0x26: {  	s26 =	sadd.s32 s25, s8  }
0x27: {  	s26 =	sshrl.u32 s26, $0x3  }
0x28: {  	s28 =	sadd.s32 s4, s26  }
0x29: {  	[tilespmem:s17], [sflag:$0x2] =	stream.linear.gather [hbm4b:s28+s3], $0xC80, $0x38;
	[tilespmem:$0x12200] =	vst v63  }
0x2a: {  	s26 =	sadd.s32 s2, s26  }
0x2b: {  	[tilespmem:s18], [sflag:$0x2] =	stream.linear.gather [hbm4b:s26+s3], $0xC80, $0x38;
	[tilespmem:$0x12200] =	vst v63  }
0x2c: {  	_ =	swait.ge [sflag:s19], $0xC80  }
0x2d: {  	[sflag:s19] =	ssyncset.done $0x0  }
0x2e: {  	[sflag:s19] =	ssyncadd.s32 $0xFFFFF380  }
0x2f: {  	_ =	swait.ge [sflag:s19], $0xC80  }
0x30: {  	[sflag:s19] =	ssyncset.done $0x0  }
0x31: {  	s31 =	simm.s32 $0xF020;
	[sflag:s19] =	ssyncadd.s32 $0xFFFFF380  }
0x32: {  	v1 =	vld [tilespmem:s31+$0x10]  }
0x33: {  	v2 =	vld [tilespmem:s31+$0xFFFFFFF0]  }
0x34: {  	v4 =	vld [tilespmem:s31+$0xFFFFFFE0];
	_ =	sdelay $0x2  }
0x35: {  	v3 =	vld [tilespmem:s31+$0x0];
	v5 =	vshll.u32 v1, $0x1  }
0x36: {  	v6 =	vand.u32 $0x7F, v1;
	v7 =	vand.u32 $0x7F, v2;
	v5 =	vand.u32 $0x1FF00, v5  }
0x37: {  	v8 =	vshll.u32 v2, $0x1;
	v9 =	vshll.u32 v4, $0x1;
	v5 =	vor.u32 v6, v5  }
0x38: {  	v10 =	vand.u32 $0x7F, v4;
	v4 =	vshra.s32 v4, $0x10;
	v2 =	vshra.s32 v2, $0x10  }
0x39: {  	s30 =	simm.s32 $0x10920;
	v1 =	vshra.s32 v1, $0x10;
	v9 =	vand.u32 $0x1FF00, v9;
	v11 =	vshll.u32 v2, $0x2  }
0x3a: {  	v12 =	vld [tilespmem:s30+$0x10];
	s31 =	simm.s32 $0xF060;
	v6 =	vand.u32 $0x1FF00, v8;
	v8 =	vshll.u32 v3, $0x1;
	v9 =	vor.u32 v10, v9  }
0x3b: {  	v25 =	vld [tilespmem:s31+$0xFFFFFFF0];
	v6 =	vor.u32 v7, v6;
	v7 =	vand.u32 $0x7F, v3;
	v8 =	vand.u32 $0x1FF00, v8  }
0x3c: {  	v13 =	vshll.u32 v1, $0x2;
	v1 =	vand.u32 $0x7F, v1;
	v7 =	vor.u32 v7, v8;
	v8 =	vld.idx.msk [tilespmem:v5+s3+$0x0], $0xffff  }
0x3d: {  	v27 =	vld [tilespmem:s31+$0x0];
	v2 =	vand.u32 $0x7F, v2;
	v10 =	vshll.u32 v4, $0x2;
	v13 =	vand.u32 $0xFFFFFE00, v13  }
0x3e: {  	v17 =	vand.u32 $0xFFFFFE00, v11;
	v11 =	vld [tilespmem:s30+$0xFFFFFFF0];
	v3 =	vshra.s32 v3, $0x10;
	v10 =	vand.u32 $0xFFFFFE00, v10  }
0x3f: {  	v13 =	vor.u32 v1, v13;
	v1 =	vand.u32 $0x7F, v4;
	v15 =	vshll.u32 v3, $0x2;
	v16 =	vld.idx.msk [tilespmem:v9+s3+$0x0], $0xffff  }
0x40: {  	v2 =	vor.u32 v2, v17;
	v20 =	vor.u32 $0x80, v13;
	v18 =	vand.u32 $0xFFFFFE00, v15;
	v15 =	vld [tilespmem:s30+$0xFFFFFFE0]  }
0x41: {  	v3 =	vand.u32 $0x7F, v3;
	v5 =	vor.u32 $0x80, v5;
	v19 =	vld.idx.msk [tilespmem:v7+s3+$0x0], $0xffff;
	v4 =	vunpack.i.l.bf16.f32 v8  }
0x42: {  	v10 =	vor.u32 v1, v10;
	v14 =	vld.idx.msk [tilespmem:v6+s3+$0x0], $0xffff;
	v8 =	vunpack.i.u.bf16.f32 v8;
	v4 =	vmul.f32 v4, v12  }
0x43: {  	v1 =	vld [tilespmem:s30+$0x0];
	v21 =	vor.u32 $0x80, v6;
	v24 =	vor.u32 $0x100, v13;
	v8 =	vmul.f32 v8, v12  }
0x44: {  	v17 =	vor.u32 v3, v18;
	v3 =	vor.u32 $0x80, v10;
	[tilespmem:v13+s20+$0x0] =	vst.idx.add.f32.msk $0xffff, v4;
	v4 =	vunpack.i.l.bf16.f32 v16  }
0x45: {  	v22 =	vor.u32 $0x80, v7;
	v18 =	vor.u32 $0x80, v2;
	[tilespmem:v20+s20+$0x0] =	vst.idx.add.f32.msk $0xffff, v8;
	v4 =	vmul.f32 v4, v15  }
0x46: {  	v9 =	vor.u32 $0x80, v9;
	v6 =	vunpack.i.u.bf16.f32 v19;
	v16 =	vunpack.i.u.bf16.f32 v16;
	v5 =	vld.idx.msk [tilespmem:v5+s3+$0x0], $0xffff  }
0x47: {  	v20 =	vunpack.i.u.bf16.f32 v14;
	v14 =	vunpack.i.l.bf16.f32 v14;
	v16 =	vmul.f32 v16, v15;
	[tilespmem:v10+s20+$0x0] =	vst.idx.add.f32.msk $0xffff, v4  }
0x48: {  	v14 =	vmul.f32 v14, v11;
	v4 =	vunpack.i.l.bf16.f32 v19;
	v19 =	vmul.f32 v20, v11;
	v20 =	vld [tilespmem:s31+$0x10]  }
0x49: {  	v7 =	vor.u32 $0x180, v17;
	v13 =	vor.u32 $0x180, v13;
	v8 =	vor.u32 $0x80, v17;
	[tilespmem:v3+s20+$0x0] =	vst.idx.add.f32.msk $0xffff, v16  }
0x4a: {  	v23 =	vmul.f32 v4, v1;
	v16 =	vmul.f32 v6, v1;
	[tilespmem:v2+s20+$0x0] =	vst.idx.add.f32.msk $0xffff, v14;
	v6 =	vor.u32 $0x180, v2  }
0x4b: {  	[tilespmem:v18+s20+$0x0] =	vst.idx.add.f32.msk $0xffff, v19;
	v19 =	vshll.u32 v25, $0x1;
	v3 =	vunpack.i.l.bf16.f32 v5;
	v4 =	vunpack.i.u.bf16.f32 v5  }
0x4c: {  	[tilespmem:v17+s20+$0x0] =	vst.idx.add.f32.msk $0xffff, v23;
	v5 =	vor.u32 $0x100, v2;
	v26 =	vmul.f32 v3, v12;
	v3 =	vor.u32 $0x100, v10  }
0x4d: {  	v12 =	vmul.f32 v4, v12;
	v4 =	vor.u32 $0x180, v10;
	v10 =	vld [tilespmem:s31+$0xFFFFFFE0];
	v14 =	vshll.u32 v20, $0x1  }
0x4e: {  	v2 =	vor.u32 $0x100, v17;
	[tilespmem:v8+s20+$0x0] =	vst.idx.add.f32.msk $0xffff, v16;
	v18 =	vand.u32 $0x7F, v20;
	v14 =	vand.u32 $0x1FF00, v14  }
0x4f: {  	v17 =	vand.u32 $0x7F, v25;
	v14 =	vor.u32 v18, v14;
	v18 =	vshll.u32 v27, $0x1;
	[tilespmem:v24+s20+$0x0] =	vst.idx.add.f32.msk $0xffff, v26  }
0x50: {  	v8 =	vand.u32 $0x1FF00, v19;
	v16 =	vand.u32 $0x7F, v27;
	v26 =	vld.idx.msk [tilespmem:v9+s3+$0x0], $0xffff;
	v18 =	vand.u32 $0x1FF00, v18  }
0x51: {  	v9 =	vshra.s32 v25, $0x10;
	[tilespmem:v13+s20+$0x0] =	vst.idx.add.f32.msk $0xffff, v12;
	v13 =	vshra.s32 v27, $0x10;
	v24 =	vor.u32 v16, v18  }
0x52: {  	v29 =	vand.u32 $0x7F, v13;
	v19 =	vand.u32 $0x7F, v10;
	v23 =	vshll.u32 v10, $0x1  }
0x53: {  	v12 =	vand.u32 $0x1FF00, v23;
	v23 =	vor.u32 v17, v8;
	v8 =	vshra.s32 v10, $0x10  }
0x54: {  	v21 =	vld.idx.msk [tilespmem:v21+s3+$0x0], $0xffff;
	v17 =	vor.u32 v19, v12;
	v10 =	vshll.u32 v8, $0x2;
	v12 =	vshll.u32 v9, $0x2  }
0x55: {  	s26 =	simm.s32 $0x10960;
	v18 =	vld.idx.msk [tilespmem:v14+s3+$0x0], $0xffff;
	v19 =	vshra.s32 v20, $0x10;
	v16 =	vand.u32 $0xFFFFFE00, v10;
	v10 =	vshll.u32 v13, $0x2  }
0x56: {  	v9 =	vand.u32 $0x7F, v9;
	v12 =	vand.u32 $0xFFFFFE00, v12;
	v20 =	vand.u32 $0xFFFFFE00, v10;
	v10 =	vld [tilespmem:s26+$0x10]  }
0x57: {  	v8 =	vand.u32 $0x7F, v8;
	v25 =	vshll.u32 v19, $0x2;
	v9 =	vor.u32 v9, v12;
	v12 =	vld [tilespmem:s26+$0xFFFFFFE0]  }
0x58: {  	v19 =	vand.u32 $0x7F, v19;
	v25 =	vand.u32 $0xFFFFFE00, v25;
	v13 =	vor.u32 v8, v16;
	v16 =	vld [tilespmem:s26+$0xFFFFFFF0]  }
0x59: {  	v63 =	vunpack.i.u.bf16.f32 v21;
	v30 =	vor.u32 v19, v25;
	v27 =	vld.idx.msk [tilespmem:v23+s3+$0x0], $0xffff  }
0x5a: {  	v21 =	vunpack.i.l.bf16.f32 v21;
	v8 =	vor.u32 v29, v20;
	v25 =	vor.u32 $0x80, v30;
	v28 =	vld.idx.msk [tilespmem:v17+s3+$0x0], $0xffff  }
0x5b: {  	v19 =	vld.idx.msk [tilespmem:v24+s3+$0x0], $0xffff;
	v29 =	vor.u32 $0x80, v14;
	v31 =	vor.u32 $0x80, v13;
	v20 =	vunpack.i.l.bf16.f32 v18  }
0x5c: {  	v35 =	vld.idx.msk [tilespmem:v22+s3+$0x0], $0xffff;
	v32 =	vor.u32 $0x80, v9;
	v18 =	vunpack.i.u.bf16.f32 v18;
	v20 =	vmul.f32 v20, v10  }
0x5d: {  	v14 =	vld [tilespmem:s26+$0x0];
	v33 =	vor.u32 $0x80, v8;
	v17 =	vor.u32 $0x80, v17;
	v34 =	vmul.f32 v18, v10  }
0x5e: {  	v18 =	vor.u32 $0x80, v23;
	v22 =	vunpack.i.u.bf16.f32 v27;
	v27 =	vunpack.i.l.bf16.f32 v27;
	[tilespmem:v30+s20+$0x0] =	vst.idx.add.f32.msk $0xffff, v20  }
0x5f: {  	v20 =	vunpack.i.u.bf16.f32 v28;
	v28 =	vunpack.i.l.bf16.f32 v28;
	[tilespmem:v25+s20+$0x0] =	vst.idx.add.f32.msk $0xffff, v34;
	v27 =	vmul.f32 v27, v16  }
0x60: {  	v25 =	vunpack.i.u.bf16.f32 v19;
	v22 =	vmul.f32 v22, v16;
	v23 =	vmul.f32 v28, v12;
	v29 =	vld.idx.msk [tilespmem:v29+s3+$0x0], $0xffff  }
0x61: {  	v28 =	vunpack.i.l.bf16.f32 v19;
	v20 =	vmul.f32 v20, v12;
	v19 =	vor.u32 $0x80, v24;
	[tilespmem:v9+s20+$0x0] =	vst.idx.add.f32.msk $0xffff, v27  }
0x62: {  	v24 =	vunpack.i.u.bf16.f32 v35;
	v27 =	vunpack.i.l.bf16.f32 v35;
	[tilespmem:v13+s20+$0x0] =	vst.idx.add.f32.msk $0xffff, v23;
	v23 =	vmul.f32 v28, v14  }
0x63: {  	[tilespmem:v31+s20+$0x0] =	vst.idx.add.f32.msk $0xffff, v20;
	v31 =	vmul.f32 v25, v14;
	v20 =	vunpack.i.l.bf16.f32 v26;
	v25 =	vor.u32 $0x100, v30  }
0x64: {  	v28 =	vunpack.i.u.bf16.f32 v26;
	[tilespmem:v32+s20+$0x0] =	vst.idx.add.f32.msk $0xffff, v22;
	v26 =	vor.u32 $0x180, v30;
	v22 =	vmul.f32 v20, v15  }
0x65: {  	[tilespmem:v8+s20+$0x0] =	vst.idx.add.f32.msk $0xffff, v23;
	v23 =	vmul.f32 v28, v15;
	v20 =	vmul.f32 v21, v11;
	v30 =	vunpack.i.l.bf16.f32 v29  }
0x66: {  	s29 =	simm.s32 $0xF0A0;
	s28 =	simm.s32 $0x40;
	v21 =	vmul.f32 v63, v11;
	[tilespmem:v33+s20+$0x0] =	vst.idx.add.f32.msk $0xffff, v31;
	v15 =	vunpack.i.u.bf16.f32 v29;
	v28 =	vmul.f32 v30, v10  }
.LBB2_5:
0x67: {  	v29 =	vld [tilespmem:s29+$0x10];
	v30 =	vor.u32 $0x100, v13;
	v10 =	vmul.f32 v15, v10;
	v27 =	vmul.f32 v27, v1;
	v15 =	vmovc v12;
	v11 =	vmovc v16  }
0x68: {  	v12 =	vor.u32 $0x180, v13;
	v13 =	vor.u32 $0x100, v9;
	v24 =	vmul.f32 v24, v1;
	v1 =	vmovc v14;
	[tilespmem:v25+s20+$0x0] =	vst.idx.add.f32.msk $0xffff, v28  }
0x69: {  	v9 =	vor.u32 $0x180, v9;
	v14 =	vor.u32 $0x100, v8;
	v25 =	vor.u32 $0x180, v8;
	[tilespmem:v26+s20+$0x0] =	vst.idx.add.f32.msk $0xffff, v10  }
0x6a: {  	s28 =	sadd.s32 $0x40, s28;
	v8 =	vld [tilespmem:s29+$0xFFFFFFF0]  }
0x6b: {  	p0 =	slt.u32 s28, $0xC40;
	v10 =	vld [tilespmem:s29+$0x0]  }
0x6c: {  	v16 =	vld [tilespmem:s29+$0xFFFFFFE0]  }
0x6d: {  	v26 =	vshll.u32 v29, $0x1;
	v28 =	vld.idx.msk [tilespmem:v17+s3+$0x0], $0xffff  }
0x6e: {  	v17 =	vand.u32 $0x7F, v29;
	v26 =	vand.u32 $0x1FF00, v26;
	v31 =	vld.idx.msk [tilespmem:v18+s3+$0x0], $0xffff  }
0x6f: {  	v17 =	vor.u32 v17, v26;
	v18 =	vand.u32 $0x7F, v8;
	v32 =	vshll.u32 v8, $0x1;
	v33 =	vld.idx.msk [tilespmem:v19+s3+$0x0], $0xffff  }
0x70: {  	v19 =	vand.u32 $0x1FF00, v32;
	v26 =	vand.u32 $0x7F, v10;
	v32 =	vshll.u32 v10, $0x1;
	[tilespmem:v3+s20+$0x0] =	vst.idx.add.f32.msk $0xffff, v22;
	v3 =	vmovc v30  }
0x71: {  	v22 =	vand.u32 $0x7F, v16;
	v30 =	vshll.u32 v16, $0x1;
	v32 =	vand.u32 $0x1FF00, v32;
	[tilespmem:v4+s20+$0x0] =	vst.idx.add.f32.msk $0xffff, v23;
	v4 =	vmovc v12  }
0x72: {  	v18 =	vor.u32 v18, v19;
	v12 =	vand.u32 $0x1FF00, v30;
	v19 =	vor.u32 v26, v32;
	[tilespmem:v5+s20+$0x0] =	vst.idx.add.f32.msk $0xffff, v20  }
0x73: {  	v8 =	vshra.s32 v8, $0x10;
	v16 =	vshra.s32 v16, $0x10;
	v5 =	vmovc v13;
	v20 =	vor.u32 v22, v12;
	[tilespmem:v6+s20+$0x0] =	vst.idx.add.f32.msk $0xffff, v21  }
0x74: {  	v13 =	vshll.u32 v8, $0x2;
	v12 =	vshll.u32 v16, $0x2;
	v21 =	vshra.s32 v10, $0x10;
	v6 =	vmovc v9;
	v22 =	vld.idx.msk [tilespmem:v17+s3+$0x0], $0xffff  }
0x75: {  	s26 =	sadd.s32 $0x40, s26;
	v9 =	vand.u32 $0xFFFFFE00, v12;
	v10 =	vshll.u32 v21, $0x2;
	v12 =	vshra.s32 v29, $0x10;
	[tilespmem:v2+s20+$0x0] =	vst.idx.add.f32.msk $0xffff, v27;
	v2 =	vmovc v14  }
0x76: {  	v14 =	vand.u32 $0xFFFFFE00, v13;
	v23 =	vand.u32 $0xFFFFFE00, v10;
	v13 =	vshll.u32 v12, $0x2;
	v10 =	vld [tilespmem:s26+$0x10]  }
0x77: {  	v16 =	vand.u32 $0x7F, v16;
	v12 =	vand.u32 $0x7F, v12;
	v13 =	vand.u32 $0xFFFFFE00, v13;
	v26 =	vld.idx.msk [tilespmem:v18+s3+$0x0], $0xffff  }
0x78: {  	v8 =	vand.u32 $0x7F, v8;
	v21 =	vand.u32 $0x7F, v21;
	v29 =	vor.u32 v12, v13;
	v27 =	vld.idx.msk [tilespmem:v20+s3+$0x0], $0xffff  }
0x79: {  	v13 =	vor.u32 v16, v9;
	v9 =	vor.u32 v8, v14;
	v32 =	vor.u32 $0x80, v29;
	v30 =	vld.idx.msk [tilespmem:v19+s3+$0x0], $0xffff  }
0x7a: {  	v8 =	vor.u32 v21, v23;
	v21 =	vor.u32 $0x80, v17;
	v14 =	vunpack.i.l.bf16.f32 v22;
	v12 =	vld [tilespmem:s26+$0xFFFFFFE0]  }
0x7b: {  	v23 =	vor.u32 $0x80, v13;
	v17 =	vunpack.i.u.bf16.f32 v22;
	v16 =	vld [tilespmem:s26+$0xFFFFFFF0];
	v22 =	vmul.f32 v14, v10  }
0x7c: {  	v34 =	vor.u32 $0x80, v9;
	v35 =	vor.u32 $0x80, v8;
	v36 =	vmul.f32 v17, v10;
	v14 =	vld [tilespmem:s26+$0x0]  }
0x7d: {  	v17 =	vor.u32 $0x80, v20;
	v20 =	vunpack.i.u.bf16.f32 v26;
	v26 =	vunpack.i.l.bf16.f32 v26;
	[tilespmem:v29+s20+$0x0] =	vst.idx.add.f32.msk $0xffff, v22  }
0x7e: {  	v18 =	vor.u32 $0x80, v18;
	v22 =	vunpack.i.u.bf16.f32 v27;
	v27 =	vunpack.i.l.bf16.f32 v27;
	[tilespmem:v32+s20+$0x0] =	vst.idx.add.f32.msk $0xffff, v36  }
0x7f: {  	v32 =	vunpack.i.u.bf16.f32 v30;
	v30 =	vunpack.i.l.bf16.f32 v30;
	v27 =	vmul.f32 v27, v12;
	v21 =	vld.idx.msk [tilespmem:v21+s3+$0x0], $0xffff  }
0x80: {  	v19 =	vor.u32 $0x80, v19;
	v22 =	vmul.f32 v22, v12;
	v26 =	vmul.f32 v26, v16;
	[tilespmem:v7+s20+$0x0] =	vst.idx.add.f32.msk $0xffff, v24  }
0x81: {  	v36 =	vunpack.i.u.bf16.f32 v28;
	v20 =	vmul.f32 v20, v16;
	[tilespmem:v13+s20+$0x0] =	vst.idx.add.f32.msk $0xffff, v27;
	v30 =	vmul.f32 v30, v14  }
.Ltmp1:
0x82: {  	v37 =	vunpack.i.u.bf16.f32 v31;
	v7 =	vmovc v25;
	v32 =	vmul.f32 v32, v14;
	[tilespmem:v23+s20+$0x0] =	vst.idx.add.f32.msk $0xffff, v22;
	v22 =	vunpack.i.l.bf16.f32 v28;
	(pc) =	sbr.rel @p0 .LBB2_5-.Ltmp1, $4  }
0x83: {  	v25 =	vor.u32 $0x100, v29;
	v24 =	vunpack.i.u.bf16.f32 v33;
	v28 =	vunpack.i.l.bf16.f32 v31;
	[tilespmem:v9+s20+$0x0] =	vst.idx.add.f32.msk $0xffff, v26  }
0x84: {  	v27 =	vunpack.i.l.bf16.f32 v33;
	v26 =	vor.u32 $0x180, v29;
	v22 =	vmul.f32 v22, v15;
	[tilespmem:v34+s20+$0x0] =	vst.idx.add.f32.msk $0xffff, v20  }
0x85: {  	v23 =	vmul.f32 v36, v15;
	v29 =	vunpack.i.l.bf16.f32 v21;
	v20 =	vmul.f32 v28, v11;
	[tilespmem:v8+s20+$0x0] =	vst.idx.add.f32.msk $0xffff, v30  }
0x86: {  	s29 =	sadd.s32 $0x40, s29;
	v15 =	vunpack.i.u.bf16.f32 v21;
	v21 =	vmul.f32 v37, v11;
	v28 =	vmul.f32 v29, v10;
	[tilespmem:v35+s20+$0x0] =	vst.idx.add.f32.msk $0xffff, v32  }
0x87: {  	_ =	sdelay $0x3  }
0x88: {  	v11 =	vld.idx.msk [tilespmem:v18+s3+$0x0], $0xffff  }
0x89: {  	v10 =	vmul.f32 v15, v10;
	v15 =	vld.idx.msk [tilespmem:v19+s3+$0x0], $0xffff  }
0x8a: {  	[tilespmem:v3+s20+$0x0] =	vst.idx.add.f32.msk $0xffff, v22  }
0x8b: {  	[tilespmem:v25+s20+$0x0] =	vst.idx.add.f32.msk $0xffff, v28  }
0x8c: {  	[tilespmem:v26+s20+$0x0] =	vst.idx.add.f32.msk $0xffff, v10  }
0x8d: {  	v10 =	vld.idx.msk [tilespmem:v17+s3+$0x0], $0xffff  }
0x8e: {  	[tilespmem:v4+s20+$0x0] =	vst.idx.add.f32.msk $0xffff, v23;
	v4 =	vmul.f32 v27, v1  }
0x8f: {  	[tilespmem:v5+s20+$0x0] =	vst.idx.add.f32.msk $0xffff, v20;
	v5 =	vor.u32 $0x100, v9;
	v1 =	vmul.f32 v24, v1  }
0x90: {  	v3 =	vor.u32 $0x100, v13;
	[tilespmem:v2+s20+$0x0] =	vst.idx.add.f32.msk $0xffff, v4  }
0x91: {  	v13 =	vor.u32 $0x180, v13;
	[tilespmem:v7+s20+$0x0] =	vst.idx.add.f32.msk $0xffff, v1;
	v1 =	vunpack.i.l.bf16.f32 v11  }
0x92: {  	v9 =	vor.u32 $0x180, v9;
	[tilespmem:v6+s20+$0x0] =	vst.idx.add.f32.msk $0xffff, v21;
	v1 =	vmul.f32 v1, v16;
	v6 =	vunpack.i.l.bf16.f32 v10  }
0x93: {  	v2 =	vunpack.i.u.bf16.f32 v10;
	v4 =	vmul.f32 v6, v12;
	v6 =	vor.u32 $0x100, v8  }
0x94: {  	v7 =	vor.u32 $0x180, v8;
	v2 =	vmul.f32 v2, v12;
	v8 =	vunpack.i.u.bf16.f32 v11;
	[tilespmem:v5+s20+$0x0] =	vst.idx.add.f32.msk $0xffff, v1  }
0x95: {  	[tilespmem:v3+s20+$0x0] =	vst.idx.add.f32.msk $0xffff, v4;
	v3 =	vunpack.i.l.bf16.f32 v15;
	v4 =	vmul.f32 v8, v16  }
0x96: {  	p0 =	seq.s32 s24, $0x18;
	[tilespmem:v13+s20+$0x0] =	vst.idx.add.f32.msk $0xffff, v2;
	v2 =	vunpack.i.u.bf16.f32 v15;
	v3 =	vmul.f32 v3, v14  }
0x97: {  	s25 =	sadd.s32 @!p0 s25, s9;
	v1 =	vmul.f32 v2, v14;
	[tilespmem:v9+s20+$0x0] =	vst.idx.add.f32.msk $0xffff, v4  }
0x98: {  	s25 =	sshrl.u32 @!p0 s25, $0x3;
	[tilespmem:v6+s20+$0x0] =	vst.idx.add.f32.msk $0xffff, v3  }
0x99: {  	s28 =	simm.s32 @!p0 $0x0;
	s29 =	simm.s32 @!p0 $0xF000;
	s26 =	sadd.s32 @!p0 s4, s25;
	[tilespmem:v7+s20+$0x0] =	vst.idx.add.f32.msk $0xffff, v1  }
0x9a: {  	[tilespmem:s29], [sflag:$0x1] =	stream.linear.gather @!p0 [hbm4b:s26+s28], $0xC80, $0x38;
	[tilespmem:$0x12200] =	vst v63  }
0x9b: {  	s25 =	sadd.s32 @!p0 s2, s25;
	s26 =	simm.s32 @!p0 $0x10900  }
0x9c: {  	[tilespmem:s26], [sflag:$0x1] =	stream.linear.gather @!p0 [hbm4b:s25+s28], $0xC80, $0x38;
	[tilespmem:$0x12200] =	vst v63  }
0x9d: {  	_ =	swait.ge [sflag:s21], $0xC80  }
0x9e: {  	[sflag:s21] =	ssyncset.done $0x0  }
0x9f: {  	[sflag:s21] =	ssyncadd.s32 $0xFFFFF380  }
0xa0: {  	_ =	swait.ge [sflag:s21], $0xC80  }
0xa1: {  	[sflag:s21] =	ssyncset.done $0x0  }
0xa2: {  	s29 =	simm.s32 $0xFCA0;
	[sflag:s21] =	ssyncadd.s32 $0xFFFFF380  }
0xa3: {  	v1 =	vld [tilespmem:s29+$0x10]  }
0xa4: {  	v2 =	vld [tilespmem:s29+$0xFFFFFFF0]  }
0xa5: {  	v4 =	vld [tilespmem:s29+$0xFFFFFFE0];
	_ =	sdelay $0x2  }
0xa6: {  	v3 =	vld [tilespmem:s29+$0x0];
	v5 =	vshll.u32 v1, $0x1  }
0xa7: {  	v6 =	vand.u32 $0x7F, v1;
	v7 =	vand.u32 $0x7F, v2;
	v5 =	vand.u32 $0x1FF00, v5  }
0xa8: {  	v8 =	vshll.u32 v2, $0x1;
	v9 =	vshll.u32 v4, $0x1;
	v5 =	vor.u32 v6, v5  }
0xa9: {  	v10 =	vand.u32 $0x7F, v4;
	v4 =	vshra.s32 v4, $0x10;
	v2 =	vshra.s32 v2, $0x10  }
0xaa: {  	s30 =	simm.s32 $0x115A0;
	v1 =	vshra.s32 v1, $0x10;
	v9 =	vand.u32 $0x1FF00, v9;
	v11 =	vshll.u32 v2, $0x2  }
0xab: {  	s31 =	simm.s32 $0xFCE0;
	v12 =	vld [tilespmem:s30+$0x10];
	v6 =	vand.u32 $0x1FF00, v8;
	v8 =	vshll.u32 v3, $0x1;
	v9 =	vor.u32 v10, v9  }
0xac: {  	v25 =	vld [tilespmem:s31+$0xFFFFFFF0];
	v6 =	vor.u32 v7, v6;
	v7 =	vand.u32 $0x7F, v3;
	v8 =	vand.u32 $0x1FF00, v8  }
0xad: {  	v13 =	vshll.u32 v1, $0x2;
	v1 =	vand.u32 $0x7F, v1;
	v7 =	vor.u32 v7, v8;
	v8 =	vld.idx.msk [tilespmem:v5+s3+$0x0], $0xffff  }
0xae: {  	v27 =	vld [tilespmem:s31+$0x0];
	v2 =	vand.u32 $0x7F, v2;
	v10 =	vshll.u32 v4, $0x2;
	v13 =	vand.u32 $0xFFFFFE00, v13  }
0xaf: {  	v17 =	vand.u32 $0xFFFFFE00, v11;
	v11 =	vld [tilespmem:s30+$0xFFFFFFF0];
	v3 =	vshra.s32 v3, $0x10;
	v10 =	vand.u32 $0xFFFFFE00, v10  }
0xb0: {  	v13 =	vor.u32 v1, v13;
	v1 =	vand.u32 $0x7F, v4;
	v15 =	vshll.u32 v3, $0x2;
	v16 =	vld.idx.msk [tilespmem:v9+s3+$0x0], $0xffff  }
0xb1: {  	v2 =	vor.u32 v2, v17;
	v20 =	vor.u32 $0x80, v13;
	v18 =	vand.u32 $0xFFFFFE00, v15;
	v15 =	vld [tilespmem:s30+$0xFFFFFFE0]  }
0xb2: {  	v3 =	vand.u32 $0x7F, v3;
	v5 =	vor.u32 $0x80, v5;
	v19 =	vld.idx.msk [tilespmem:v7+s3+$0x0], $0xffff;
	v4 =	vunpack.i.l.bf16.f32 v8  }
0xb3: {  	v10 =	vor.u32 v1, v10;
	v14 =	vld.idx.msk [tilespmem:v6+s3+$0x0], $0xffff;
	v8 =	vunpack.i.u.bf16.f32 v8;
	v4 =	vmul.f32 v4, v12  }
0xb4: {  	v1 =	vld [tilespmem:s30+$0x0];
	v21 =	vor.u32 $0x80, v6;
	v24 =	vor.u32 $0x100, v13;
	v8 =	vmul.f32 v8, v12  }
0xb5: {  	v17 =	vor.u32 v3, v18;
	v3 =	vor.u32 $0x80, v10;
	[tilespmem:v13+s20+$0x0] =	vst.idx.add.f32.msk $0xffff, v4;
	v4 =	vunpack.i.l.bf16.f32 v16  }
0xb6: {  	v22 =	vor.u32 $0x80, v7;
	v18 =	vor.u32 $0x80, v2;
	[tilespmem:v20+s20+$0x0] =	vst.idx.add.f32.msk $0xffff, v8;
	v4 =	vmul.f32 v4, v15  }
0xb7: {  	v9 =	vor.u32 $0x80, v9;
	v6 =	vunpack.i.u.bf16.f32 v19;
	v16 =	vunpack.i.u.bf16.f32 v16;
	v5 =	vld.idx.msk [tilespmem:v5+s3+$0x0], $0xffff  }
0xb8: {  	v20 =	vunpack.i.u.bf16.f32 v14;
	v14 =	vunpack.i.l.bf16.f32 v14;
	v16 =	vmul.f32 v16, v15;
	[tilespmem:v10+s20+$0x0] =	vst.idx.add.f32.msk $0xffff, v4  }
0xb9: {  	v14 =	vmul.f32 v14, v11;
	v4 =	vunpack.i.l.bf16.f32 v19;
	v19 =	vmul.f32 v20, v11;
	v20 =	vld [tilespmem:s31+$0x10]  }
0xba: {  	v7 =	vor.u32 $0x180, v17;
	v13 =	vor.u32 $0x180, v13;
	v8 =	vor.u32 $0x80, v17;
	[tilespmem:v3+s20+$0x0] =	vst.idx.add.f32.msk $0xffff, v16  }
0xbb: {  	v23 =	vmul.f32 v4, v1;
	v16 =	vmul.f32 v6, v1;
	[tilespmem:v2+s20+$0x0] =	vst.idx.add.f32.msk $0xffff, v14;
	v6 =	vor.u32 $0x180, v2  }
0xbc: {  	[tilespmem:v18+s20+$0x0] =	vst.idx.add.f32.msk $0xffff, v19;
	v19 =	vshll.u32 v25, $0x1;
	v3 =	vunpack.i.l.bf16.f32 v5;
	v4 =	vunpack.i.u.bf16.f32 v5  }
0xbd: {  	[tilespmem:v17+s20+$0x0] =	vst.idx.add.f32.msk $0xffff, v23;
	v5 =	vor.u32 $0x100, v2;
	v26 =	vmul.f32 v3, v12;
	v3 =	vor.u32 $0x100, v10  }
0xbe: {  	v12 =	vmul.f32 v4, v12;
	v4 =	vor.u32 $0x180, v10;
	v10 =	vld [tilespmem:s31+$0xFFFFFFE0];
	v14 =	vshll.u32 v20, $0x1  }
0xbf: {  	v2 =	vor.u32 $0x100, v17;
	[tilespmem:v8+s20+$0x0] =	vst.idx.add.f32.msk $0xffff, v16;
	v18 =	vand.u32 $0x7F, v20;
	v14 =	vand.u32 $0x1FF00, v14  }
0xc0: {  	v17 =	vand.u32 $0x7F, v25;
	v14 =	vor.u32 v18, v14;
	v18 =	vshll.u32 v27, $0x1;
	[tilespmem:v24+s20+$0x0] =	vst.idx.add.f32.msk $0xffff, v26  }
0xc1: {  	v8 =	vand.u32 $0x1FF00, v19;
	v16 =	vand.u32 $0x7F, v27;
	v26 =	vld.idx.msk [tilespmem:v9+s3+$0x0], $0xffff;
	v18 =	vand.u32 $0x1FF00, v18  }
0xc2: {  	v9 =	vshra.s32 v25, $0x10;
	[tilespmem:v13+s20+$0x0] =	vst.idx.add.f32.msk $0xffff, v12;
	v13 =	vshra.s32 v27, $0x10;
	v24 =	vor.u32 v16, v18  }
0xc3: {  	v29 =	vand.u32 $0x7F, v13;
	v19 =	vand.u32 $0x7F, v10;
	v23 =	vshll.u32 v10, $0x1  }
0xc4: {  	v12 =	vand.u32 $0x1FF00, v23;
	v23 =	vor.u32 v17, v8;
	v8 =	vshra.s32 v10, $0x10  }
0xc5: {  	v21 =	vld.idx.msk [tilespmem:v21+s3+$0x0], $0xffff;
	v17 =	vor.u32 v19, v12;
	v10 =	vshll.u32 v8, $0x2;
	v12 =	vshll.u32 v9, $0x2  }
0xc6: {  	s25 =	simm.s32 $0x115E0;
	v18 =	vld.idx.msk [tilespmem:v14+s3+$0x0], $0xffff;
	v19 =	vshra.s32 v20, $0x10;
	v16 =	vand.u32 $0xFFFFFE00, v10;
	v10 =	vshll.u32 v13, $0x2  }
0xc7: {  	v9 =	vand.u32 $0x7F, v9;
	v12 =	vand.u32 $0xFFFFFE00, v12;
	v20 =	vand.u32 $0xFFFFFE00, v10;
	v10 =	vld [tilespmem:s25+$0x10]  }
0xc8: {  	v8 =	vand.u32 $0x7F, v8;
	v25 =	vshll.u32 v19, $0x2;
	v9 =	vor.u32 v9, v12;
	v12 =	vld [tilespmem:s25+$0xFFFFFFE0]  }
0xc9: {  	v19 =	vand.u32 $0x7F, v19;
	v25 =	vand.u32 $0xFFFFFE00, v25;
	v13 =	vor.u32 v8, v16;
	v16 =	vld [tilespmem:s25+$0xFFFFFFF0]  }
0xca: {  	v63 =	vunpack.i.u.bf16.f32 v21;
	v30 =	vor.u32 v19, v25;
	v27 =	vld.idx.msk [tilespmem:v23+s3+$0x0], $0xffff  }
0xcb: {  	v21 =	vunpack.i.l.bf16.f32 v21;
	v8 =	vor.u32 v29, v20;
	v25 =	vor.u32 $0x80, v30;
	v28 =	vld.idx.msk [tilespmem:v17+s3+$0x0], $0xffff  }
0xcc: {  	v19 =	vld.idx.msk [tilespmem:v24+s3+$0x0], $0xffff;
	v29 =	vor.u32 $0x80, v14;
	v31 =	vor.u32 $0x80, v13;
	v20 =	vunpack.i.l.bf16.f32 v18  }
0xcd: {  	v35 =	vld.idx.msk [tilespmem:v22+s3+$0x0], $0xffff;
	v32 =	vor.u32 $0x80, v9;
	v18 =	vunpack.i.u.bf16.f32 v18;
	v20 =	vmul.f32 v20, v10  }
0xce: {  	v14 =	vld [tilespmem:s25+$0x0];
	v33 =	vor.u32 $0x80, v8;
	v17 =	vor.u32 $0x80, v17;
	v34 =	vmul.f32 v18, v10  }
0xcf: {  	v18 =	vor.u32 $0x80, v23;
	v22 =	vunpack.i.u.bf16.f32 v27;
	v27 =	vunpack.i.l.bf16.f32 v27;
	[tilespmem:v30+s20+$0x0] =	vst.idx.add.f32.msk $0xffff, v20  }
0xd0: {  	v20 =	vunpack.i.u.bf16.f32 v28;
	v28 =	vunpack.i.l.bf16.f32 v28;
	[tilespmem:v25+s20+$0x0] =	vst.idx.add.f32.msk $0xffff, v34;
	v27 =	vmul.f32 v27, v16  }
0xd1: {  	v25 =	vunpack.i.u.bf16.f32 v19;
	v22 =	vmul.f32 v22, v16;
	v23 =	vmul.f32 v28, v12;
	v29 =	vld.idx.msk [tilespmem:v29+s3+$0x0], $0xffff  }
0xd2: {  	v28 =	vunpack.i.l.bf16.f32 v19;
	v20 =	vmul.f32 v20, v12;
	v19 =	vor.u32 $0x80, v24;
	[tilespmem:v9+s20+$0x0] =	vst.idx.add.f32.msk $0xffff, v27  }
0xd3: {  	v24 =	vunpack.i.u.bf16.f32 v35;
	v27 =	vunpack.i.l.bf16.f32 v35;
	[tilespmem:v13+s20+$0x0] =	vst.idx.add.f32.msk $0xffff, v23;
	v23 =	vmul.f32 v28, v14  }
0xd4: {  	[tilespmem:v31+s20+$0x0] =	vst.idx.add.f32.msk $0xffff, v20;
	v31 =	vmul.f32 v25, v14;
	v20 =	vunpack.i.l.bf16.f32 v26;
	v25 =	vor.u32 $0x100, v30  }
0xd5: {  	v28 =	vunpack.i.u.bf16.f32 v26;
	[tilespmem:v32+s20+$0x0] =	vst.idx.add.f32.msk $0xffff, v22;
	v26 =	vor.u32 $0x180, v30;
	v22 =	vmul.f32 v20, v15  }
0xd6: {  	[tilespmem:v8+s20+$0x0] =	vst.idx.add.f32.msk $0xffff, v23;
	v23 =	vmul.f32 v28, v15;
	v20 =	vmul.f32 v21, v11;
	v30 =	vunpack.i.l.bf16.f32 v29  }
0xd7: {  	s26 =	simm.s32 $0x40;
	s28 =	simm.s32 $0xFD20;
	v21 =	vmul.f32 v63, v11;
	[tilespmem:v33+s20+$0x0] =	vst.idx.add.f32.msk $0xffff, v31;
	v15 =	vunpack.i.u.bf16.f32 v29;
	v28 =	vmul.f32 v30, v10  }
.LBB2_7:
0xd8: {  	v29 =	vld [tilespmem:s28+$0x10];
	v30 =	vor.u32 $0x100, v13;
	v10 =	vmul.f32 v15, v10;
	v27 =	vmul.f32 v27, v1;
	v15 =	vmovc v12;
	v11 =	vmovc v16  }
0xd9: {  	v12 =	vor.u32 $0x180, v13;
	v13 =	vor.u32 $0x100, v9;
	v24 =	vmul.f32 v24, v1;
	v1 =	vmovc v14;
	[tilespmem:v25+s20+$0x0] =	vst.idx.add.f32.msk $0xffff, v28  }
0xda: {  	v9 =	vor.u32 $0x180, v9;
	v14 =	vor.u32 $0x100, v8;
	v25 =	vor.u32 $0x180, v8;
	[tilespmem:v26+s20+$0x0] =	vst.idx.add.f32.msk $0xffff, v10  }
0xdb: {  	s26 =	sadd.s32 $0x40, s26;
	v8 =	vld [tilespmem:s28+$0xFFFFFFF0]  }
0xdc: {  	p0 =	slt.u32 s26, $0xC40;
	v10 =	vld [tilespmem:s28+$0x0]  }
0xdd: {  	v16 =	vld [tilespmem:s28+$0xFFFFFFE0]  }
0xde: {  	v26 =	vshll.u32 v29, $0x1;
	v28 =	vld.idx.msk [tilespmem:v17+s3+$0x0], $0xffff  }
0xdf: {  	v17 =	vand.u32 $0x7F, v29;
	v26 =	vand.u32 $0x1FF00, v26;
	v31 =	vld.idx.msk [tilespmem:v18+s3+$0x0], $0xffff  }
0xe0: {  	v17 =	vor.u32 v17, v26;
	v18 =	vand.u32 $0x7F, v8;
	v32 =	vshll.u32 v8, $0x1;
	v33 =	vld.idx.msk [tilespmem:v19+s3+$0x0], $0xffff  }
0xe1: {  	v19 =	vand.u32 $0x1FF00, v32;
	v26 =	vand.u32 $0x7F, v10;
	v32 =	vshll.u32 v10, $0x1;
	[tilespmem:v3+s20+$0x0] =	vst.idx.add.f32.msk $0xffff, v22;
	v3 =	vmovc v30  }
0xe2: {  	v22 =	vand.u32 $0x7F, v16;
	v30 =	vshll.u32 v16, $0x1;
	v32 =	vand.u32 $0x1FF00, v32;
	[tilespmem:v4+s20+$0x0] =	vst.idx.add.f32.msk $0xffff, v23;
	v4 =	vmovc v12  }
0xe3: {  	v18 =	vor.u32 v18, v19;
	v12 =	vand.u32 $0x1FF00, v30;
	v19 =	vor.u32 v26, v32;
	[tilespmem:v5+s20+$0x0] =	vst.idx.add.f32.msk $0xffff, v20  }
0xe4: {  	v8 =	vshra.s32 v8, $0x10;
	v16 =	vshra.s32 v16, $0x10;
	v5 =	vmovc v13;
	v20 =	vor.u32 v22, v12;
	[tilespmem:v6+s20+$0x0] =	vst.idx.add.f32.msk $0xffff, v21  }
0xe5: {  	v13 =	vshll.u32 v8, $0x2;
	v12 =	vshll.u32 v16, $0x2;
	v21 =	vshra.s32 v10, $0x10;
	v6 =	vmovc v9;
	v22 =	vld.idx.msk [tilespmem:v17+s3+$0x0], $0xffff  }
0xe6: {  	s25 =	sadd.s32 $0x40, s25;
	v9 =	vand.u32 $0xFFFFFE00, v12;
	v10 =	vshll.u32 v21, $0x2;
	v12 =	vshra.s32 v29, $0x10;
	[tilespmem:v2+s20+$0x0] =	vst.idx.add.f32.msk $0xffff, v27;
	v2 =	vmovc v14  }
0xe7: {  	v14 =	vand.u32 $0xFFFFFE00, v13;
	v23 =	vand.u32 $0xFFFFFE00, v10;
	v13 =	vshll.u32 v12, $0x2;
	v10 =	vld [tilespmem:s25+$0x10]  }
0xe8: {  	v16 =	vand.u32 $0x7F, v16;
	v12 =	vand.u32 $0x7F, v12;
	v13 =	vand.u32 $0xFFFFFE00, v13;
	v26 =	vld.idx.msk [tilespmem:v18+s3+$0x0], $0xffff  }
0xe9: {  	v8 =	vand.u32 $0x7F, v8;
	v21 =	vand.u32 $0x7F, v21;
	v29 =	vor.u32 v12, v13;
	v27 =	vld.idx.msk [tilespmem:v20+s3+$0x0], $0xffff  }
0xea: {  	v13 =	vor.u32 v16, v9;
	v9 =	vor.u32 v8, v14;
	v32 =	vor.u32 $0x80, v29;
	v30 =	vld.idx.msk [tilespmem:v19+s3+$0x0], $0xffff  }
0xeb: {  	v8 =	vor.u32 v21, v23;
	v21 =	vor.u32 $0x80, v17;
	v14 =	vunpack.i.l.bf16.f32 v22;
	v12 =	vld [tilespmem:s25+$0xFFFFFFE0]  }
0xec: {  	v23 =	vor.u32 $0x80, v13;
	v17 =	vunpack.i.u.bf16.f32 v22;
	v16 =	vld [tilespmem:s25+$0xFFFFFFF0];
	v22 =	vmul.f32 v14, v10  }
0xed: {  	v34 =	vor.u32 $0x80, v9;
	v35 =	vor.u32 $0x80, v8;
	v36 =	vmul.f32 v17, v10;
	v14 =	vld [tilespmem:s25+$0x0]  }
0xee: {  	v17 =	vor.u32 $0x80, v20;
	v20 =	vunpack.i.u.bf16.f32 v26;
	v26 =	vunpack.i.l.bf16.f32 v26;
	[tilespmem:v29+s20+$0x0] =	vst.idx.add.f32.msk $0xffff, v22  }
0xef: {  	v18 =	vor.u32 $0x80, v18;
	v22 =	vunpack.i.u.bf16.f32 v27;
	v27 =	vunpack.i.l.bf16.f32 v27;
	[tilespmem:v32+s20+$0x0] =	vst.idx.add.f32.msk $0xffff, v36  }
0xf0: {  	v32 =	vunpack.i.u.bf16.f32 v30;
	v30 =	vunpack.i.l.bf16.f32 v30;
	v27 =	vmul.f32 v27, v12;
	v21 =	vld.idx.msk [tilespmem:v21+s3+$0x0], $0xffff  }
0xf1: {  	v19 =	vor.u32 $0x80, v19;
	v22 =	vmul.f32 v22, v12;
	v26 =	vmul.f32 v26, v16;
	[tilespmem:v7+s20+$0x0] =	vst.idx.add.f32.msk $0xffff, v24  }
0xf2: {  	v36 =	vunpack.i.u.bf16.f32 v28;
	v20 =	vmul.f32 v20, v16;
	[tilespmem:v13+s20+$0x0] =	vst.idx.add.f32.msk $0xffff, v27;
	v30 =	vmul.f32 v30, v14  }
.Ltmp2:
0xf3: {  	v37 =	vunpack.i.u.bf16.f32 v31;
	v7 =	vmovc v25;
	v32 =	vmul.f32 v32, v14;
	[tilespmem:v23+s20+$0x0] =	vst.idx.add.f32.msk $0xffff, v22;
	v22 =	vunpack.i.l.bf16.f32 v28;
	(pc) =	sbr.rel @p0 .LBB2_7-.Ltmp2, $4  }
0xf4: {  	v25 =	vor.u32 $0x100, v29;
	v24 =	vunpack.i.u.bf16.f32 v33;
	v28 =	vunpack.i.l.bf16.f32 v31;
	[tilespmem:v9+s20+$0x0] =	vst.idx.add.f32.msk $0xffff, v26  }
0xf5: {  	v27 =	vunpack.i.l.bf16.f32 v33;
	v26 =	vor.u32 $0x180, v29;
	v22 =	vmul.f32 v22, v15;
	[tilespmem:v34+s20+$0x0] =	vst.idx.add.f32.msk $0xffff, v20  }
0xf6: {  	v23 =	vmul.f32 v36, v15;
	v29 =	vunpack.i.l.bf16.f32 v21;
	v20 =	vmul.f32 v28, v11;
	[tilespmem:v8+s20+$0x0] =	vst.idx.add.f32.msk $0xffff, v30  }
0xf7: {  	s28 =	sadd.s32 $0x40, s28;
	v15 =	vunpack.i.u.bf16.f32 v21;
	v21 =	vmul.f32 v37, v11;
	v28 =	vmul.f32 v29, v10;
	[tilespmem:v35+s20+$0x0] =	vst.idx.add.f32.msk $0xffff, v32  }
0xf8: {  	_ =	sdelay $0x3  }
0xf9: {  	v52 =	vld.idx.msk [tilespmem:v17+s3+$0x0], $0xffff  }
0xfa: {  	v11 =	vld.idx.msk [tilespmem:v18+s3+$0x0], $0xffff  }
0xfb: {  	v53 =	vld.idx.msk [tilespmem:v19+s3+$0x0], $0xffff  }
0xfc: {  	[tilespmem:v3+s20+$0x0] =	vst.idx.add.f32.msk $0xffff, v22  }
0xfd: {  	[tilespmem:v5+s20+$0x0] =	vst.idx.add.f32.msk $0xffff, v20  }
0xfe: {  	[tilespmem:v25+s20+$0x0] =	vst.idx.add.f32.msk $0xffff, v28  }
0xff: {  	v3 =	vor.u32 $0x100, v13;
	v54 =	vmul.f32 v27, v1;
	[tilespmem:v4+s20+$0x0] =	vst.idx.add.f32.msk $0xffff, v23  }
0x100: {  	v56 =	vor.u32 $0x100, v9;
	v1 =	vmul.f32 v24, v1;
	[tilespmem:v6+s20+$0x0] =	vst.idx.add.f32.msk $0xffff, v21  }
0x101: {  	v10 =	vmul.f32 v15, v10;
	v55 =	vor.u32 $0x180, v13;
	[tilespmem:v2+s20+$0x0] =	vst.idx.add.f32.msk $0xffff, v54;
	v57 =	vunpack.i.l.bf16.f32 v52  }
0x102: {  	v58 =	vor.u32 $0x180, v9;
	[tilespmem:v7+s20+$0x0] =	vst.idx.add.f32.msk $0xffff, v1;
	v1 =	vunpack.i.l.bf16.f32 v11;
	v59 =	vmul.f32 v57, v12  }
0x103: {  	v60 =	vor.u32 $0x100, v8;
	s24 =	sadd.s32 $0x1, s24;
	[tilespmem:v26+s20+$0x0] =	vst.idx.add.f32.msk $0xffff, v10;
	v2 =	vunpack.i.u.bf16.f32 v52;
	v1 =	vmul.f32 v1, v16  }
0x104: {  	v61 =	vor.u32 $0x180, v8;
	p0 =	sne.s32 s24, $0x19;
	v62 =	vunpack.i.u.bf16.f32 v11;
	v2 =	vmul.f32 v2, v12;
	[tilespmem:v3+s20+$0x0] =	vst.idx.add.f32.msk $0xffff, v59  }
.Ltmp3:
0x105: {  	v63 =	vmul.f32 v62, v16;
	v3 =	vunpack.i.l.bf16.f32 v53;
	[tilespmem:v56+s20+$0x0] =	vst.idx.add.f32.msk $0xffff, v1;
	(pc) =	sbr.rel @p0 .LBB2_4-.Ltmp3, $4  }
0x106: {  	[tilespmem:v55+s20+$0x0] =	vst.idx.add.f32.msk $0xffff, v2;
	v2 =	vunpack.i.u.bf16.f32 v53;
	v3 =	vmul.f32 v3, v14  }
0x107: {  	[tilespmem:v58+s20+$0x0] =	vst.idx.add.f32.msk $0xffff, v63;
	v1 =	vmul.f32 v2, v14  }
0x108: {  	[tilespmem:v60+s20+$0x0] =	vst.idx.add.f32.msk $0xffff, v3  }
0x109: {  	[tilespmem:v61+s20+$0x0] =	vst.idx.add.f32.msk $0xffff, v1  }
0x10a: {  	s23 =	sadd.s32 $0x1, s23  }
0x10b: {  	p0 =	sne.s32 s23, s11  }
.Ltmp4:
0x10c: {  	_ = 	snop;
	(pc) =	sbr.rel @p0 .LBB2_1-.Ltmp4, $4  }
0x10d: {  	[hbm4b:s10+s22] =	stream.strided.scatter [tilespmem:s20], [sflag:$0x3], $0xA000, s15, s22, $0x38;
	[tilespmem:$0x12200] =	vst v63  }
0x10e: {  	_ =	swait.ge [sflag:s16], $0xA000  }
0x10f: {  	[sflag:s16] =	ssyncset.done $0x0  }
0x110: {  	[sflag:s16] =	ssyncadd.s32 $0xFFFF6000  }
0x111: {  	_ =	sfence.sel $0x180000  }
0x112: {  	[bflag:$0x0] =	sbarrier.arrive $0xFFFF  }
0x113: {  	p0 =	sne.s32 s1, $0x0;
	_ =	strace $0x9000004A  }
0x114: {  	s0 =	sadd.s32 @!p0 $0x100000, s0;
	[bflag:$0x2] =	sbarrier.arrive $0xFFFF  }
0x115: {  	[sflag:s0] =	ssyncadd.tile.s32 @!p0 $0x1;
	_ =	shalt  }
.Lfunc_end2:
_tile_overlayer_lowered:
.L_overlay_start_2:
0x116: {  	(tag) =	ssettag $0x2  }
0x117: {  	s0 =	rddreg [dreg:$0x0];
	s2 =	stileid.u32  }
0x118: {  	s1 =	rddreg [dreg:$0x1];
	p0 =	sne.s32 s2, $0x0  }
0x119: {  	s3 =	rddreg [dreg:$0x2];
	[bflag:$0x3] =	sbarrier.arrive $0xFFFF;
	s2 =	simm.s32 @!p0 $0x1C03  }
0x11a: {  	[timem:s3], [sflag:s2] =	dma.local @!p0 [hbm:s0], s1  }
0x11b: {  	s0 =	simm.s32 @!p0 $0x3  }
0x11c: {  	_ =	swait.ge @!p0 [sflag:s0], s1  }
0x11d: {  	s1 =	ssub.s32 @!p0 $0x0, s1;
	[sflag:s0] =	ssyncset.done @!p0 $0x0  }
0x11e: {  	[sflag:s0] =	ssyncadd.s32 @!p0 s1  }
0x11f: {  	[bflag:$0x3] =	sbarrier.arrive $0xFFFF  }
0x120: {  	_ =	shalt  }

// kernel: kernel.14.cloned.1.call-start
scs
__scs_entry_jumppad:
0x0: {  	(pc) =	sbr.rel $0x88, $3  }
0x1: {  	(tag) =	ssettag $0x0;
	lr =	simm.s32 $0x1  }
0x2: {  	[smem:$0x3F9A] =	sst lr;
	_ =	strace $0xD0000000  }
0x3: {  	_ = 	snop  }
0x4: {  	_ = 	snop  }
0x5: {  	_ = 	snop  }
0x6: {  	_ = 	snop  }
0x7: {  	_ = 	snop  }
__scs_overlays_trampoline_lowered:
0x8: {  	[smem:$0x3FA9] =	sst s0  }
0x9: {  	[smem:$0x3FAA] =	sst s1  }
0xa: {  	[smem:$0x3FAB] =	sst s2  }
0xb: {  	[smem:$0x3FAC] =	sst s3  }
0xc: {  	[smem:$0x3FAD] =	sst s4  }
0xd: {  	[smem:$0x3FAE] =	sst s5  }
0xe: {  	[smem:$0x3FAF] =	sst s6  }
0xf: {  	[smem:$0x3FB0] =	sst s7  }
0x10: {  	[smem:$0x3FB1] =	sst s8  }
0x11: {  	[smem:$0x3FB2] =	sst s9;
	s0 =	simm.s32 @!p0 $0x0  }
0x12: {  	s1 =	sld [smem:$0x3F98];
	s0 =	simm.s32 @p0 $0x1  }
0x13: {  	[smem:$0x3FB3] =	sst s0;
	s0 =	simm.s32 @!p1 $0x0  }
0x14: {  	s2 =	sld [smem:$0x3F97];
	s0 =	simm.s32 @p1 $0x1  }
0x15: {  	[smem:$0x3FB4] =	sst s0;
	s0 =	simm.s32 @!p2 $0x0  }
0x16: {  	s3 =	sld [smem:$0x3FDB];
	s0 =	simm.s32 @p2 $0x1  }
0x17: {  	s4 =	simm.s32 $0x1BF5;
	[smem:$0x3FB6] =	sst s0  }
0x18: {  	s0 =	sld [smem:$0x3F99];
	_ =	swait.ge [sflag:s4], $0x0  }
0x19: {  	s7 =	sld [smem:$0x3F9A]  }
0x1a: {  	s8 =	sadd.s32 $0xFFFFE003, lr  }
0x1b: {  	s9 =	sadd.s32 $0xFFFFFEF7, lr;
	s5 =	simm.s32 $0xFFFFFFFF;
	p2 =	slt.u32 s8, $0xFFFFF086  }
0x1c: {  	p1 =	slt.u32 s9, $0xF7A;
	s5 =	simm.s32 @!p2 $0x0  }
0x1d: {  	s5 =	simm.s32 @p1 $0x1;
	p0 =	seq.s32 s7, s2  }
0x1e: {  	s7 =	smul.u32 @!p0 $0xF7A, s2;
	p2 =	seq.s32 @!p0 s5, $0x0  }
0x1f: {  	s9 =	smul.u32 $0xF7A, s1;
	s8 =	simm.s32 @!p0 $0x1BF5;
	p2 =	por !p2, p0  }
0x20: {  	[sflag:s8] =	ssyncset.s32 @!p0 $0xFFFFF086;
	s6 =	sadd.s32 @!p0 s3, s7;
	s7 =	simm.s32 @!p0 $0x108  }
0x21: {  	s3 =	sadd.s32 s3, s9;
	s6 =	sadd.s32 @!p0 $0x88, s6;
	s7 =	simm.s32 @p2 $0x1082  }
0x22: {  	[simem:s7], [sflag:s8] =	dma.local @!p0 [hbm:s6], $0xF7A  }
0x23: {  	s9 =	sor.u32 $0xD0000000, s2;
	s6 =	simm.s32 $0x108;
	_ =	swait.ge @!p0 [sflag:s8], $0x0  }
0x24: {  	s3 =	sadd.s32 $0x88, s3;
	s6 =	simm.s32 @!p1 $0x1082;
	[sflag:s4] =	ssyncset.s32 $0xFFFFF086  }
0x25: {  	[simem:s6], [sflag:s4] =	dma.local [hbm:s3], $0xF7A  }
0x26: {  	[smem:$0x3F9A] =	sst s1;
	(tag) =	ssettag s2;
	_ =	strace s9  }
0x27: {  	s1 =	sld [smem:$0x3FAA]  }
0x28: {  	s2 =	sld [smem:$0x3FAB]  }
0x29: {  	s4 =	sld [smem:$0x3FAD]  }
0x2a: {  	p0 =	seq.s32 s5, $0x0;
	s5 =	sld [smem:$0x3FAE]  }
0x2b: {  	s6 =	sld [smem:$0x3FAF]  }
0x2c: {  	s7 =	sld [smem:$0x3FB0]  }
0x2d: {  	s3 =	simm.s32 $0x108;
	s8 =	sld [smem:$0x3FB1]  }
0x2e: {  	s3 =	simm.s32 @!p0 $0x1082;
	s9 =	sld [smem:$0x3FB2]  }
0x2f: {  	lr =	sadd.s32 s0, s3;
	s0 =	sld [smem:$0x3FA9]  }
0x30: {  	s3 =	sld [smem:$0x3FAC]  }
0x31: {  	[smem:$0x3FB5] =	sst s10  }
0x32: {  	s10 =	sld [smem:$0x3FB3];
	_ =	sdelay $0x3  }
0x33: {  	p0 =	seq.s32 s10, $0x1;
	s10 =	sld [smem:$0x3FB5];
	_ =	sdelay $0x3  }
0x34: {  	[smem:$0x3FB5] =	sst s10  }
0x35: {  	s10 =	sld [smem:$0x3FB4];
	_ =	sdelay $0x3  }
0x36: {  	p1 =	seq.s32 s10, $0x1;
	s10 =	sld [smem:$0x3FB5];
	_ =	sdelay $0x3  }
0x37: {  	[smem:$0x3FB5] =	sst s10  }
0x38: {  	s10 =	sld [smem:$0x3FB6]  }
0x39: {  	_ = 	snop;
	(pc) =	sbr.ind lr, $3  }
0x3a: {  	_ = 	snop  }
0x3b: {  	_ = 	snop  }
0x3c: {  	p2 =	seq.s32 s10, $0x1;
	s10 =	sld [smem:$0x3FB5]  }
0x3d: {  	_ =	shalt  }
0x3e: {  	_ =	shalt  }
0x3f: {  	_ =	shalt  }
0x40: {  	_ =	shalt  }
0x41: {  	_ =	shalt  }
0x42: {  	_ =	shalt  }
0x43: {  	_ =	shalt  }
0x44: {  	_ =	shalt  }
0x45: {  	_ =	shalt  }
0x46: {  	_ =	shalt  }
0x47: {  	_ =	shalt  }
0x48: {  	_ =	shalt  }
0x49: {  	_ =	shalt  }
0x4a: {  	_ =	shalt  }
0x4b: {  	_ =	shalt  }
0x4c: {  	_ =	shalt  }
0x4d: {  	_ =	shalt  }
0x4e: {  	_ =	shalt  }
0x4f: {  	_ =	shalt  }
0x50: {  	_ =	shalt  }
0x51: {  	_ =	shalt  }
0x52: {  	_ =	shalt  }
0x53: {  	_ =	shalt  }
0x54: {  	_ =	shalt  }
0x55: {  	_ =	shalt  }
0x56: {  	_ =	shalt  }
0x57: {  	_ =	shalt  }
0x58: {  	_ =	shalt  }
0x59: {  	_ =	shalt  }
0x5a: {  	_ =	shalt  }
0x5b: {  	_ =	shalt  }
0x5c: {  	_ =	shalt  }
0x5d: {  	_ =	shalt  }
0x5e: {  	_ =	shalt  }
0x5f: {  	_ =	shalt  }
0x60: {  	_ =	shalt  }
0x61: {  	_ =	shalt  }
0x62: {  	_ =	shalt  }
0x63: {  	_ =	shalt  }
0x64: {  	_ =	shalt  }
0x65: {  	_ =	shalt  }
0x66: {  	_ =	shalt  }
0x67: {  	_ =	shalt  }
0x68: {  	_ =	shalt  }
0x69: {  	_ =	shalt  }
0x6a: {  	_ =	shalt  }
0x6b: {  	_ =	shalt  }
0x6c: {  	_ =	shalt  }
0x6d: {  	_ =	shalt  }
0x6e: {  	_ =	shalt  }
0x6f: {  	_ =	shalt  }
0x70: {  	_ =	shalt  }
0x71: {  	_ =	shalt  }
0x72: {  	_ =	shalt  }
0x73: {  	_ =	shalt  }
0x74: {  	_ =	shalt  }
0x75: {  	_ =	shalt  }
0x76: {  	_ =	shalt  }
0x77: {  	_ =	shalt  }
0x78: {  	_ =	shalt  }
0x79: {  	_ =	shalt  }
0x7a: {  	_ =	shalt  }
0x7b: {  	_ =	shalt  }
0x7c: {  	_ =	shalt  }
0x7d: {  	_ =	shalt  }
0x7e: {  	_ =	shalt  }
0x7f: {  	_ =	shalt  }
0x80: {  	_ =	shalt  }
0x81: {  	_ =	shalt  }
0x82: {  	_ =	shalt  }
0x83: {  	_ =	shalt  }
0x84: {  	_ =	shalt  }
0x85: {  	_ =	shalt  }
0x86: {  	_ =	shalt  }
0x87: {  	_ =	shalt  }
.Lfunc_end0:
.L_simem_size_0:
called_computation.2_lowered:
.L_overlay_start_0:
0x88: {  	s2 =	sld [smem:$0x3FD9]  }
0x89: {  	s3 =	sld [smem:$0x3FFE];
	_ =	sdelay $0x1  }
0x8a: {  	s1 =	srdreg.scid  }
0x8b: {  	s0 =	sand.u32 $0x1, s1  }
0x8c: {  	s17 =	sshll.u32 s0, $0xA;
	s2 =	sadd.s32 s3, s2  }
0x8d: {  	s2 =	sadd.s32 s2, s17  }
0x8e: {  	[smem:$0x3FC1] =	sst s2  }
0x8f: {  	_ = 	snop  }
0x90: {  	s2 =	sld [smem:$0x3FC7];
	(tm) =	ssettm $0x1  }
0x91: {  	s18 =	sld [smem:$0x3FFB];
	_ =	sdelay $0x3  }
0x92: {  	_ =	strace s18  }
0x93: {  	s3 =	sld [smem:$0x3FFC];
	_ =	sdelay $0x3  }
0x94: {  	_ =	strace s3  }
0x95: {  	s3 =	sld [smem:$0x3FFD];
	_ =	sdelay $0x3  }
0x96: {  	_ =	strace s3  }
0x97: {  	_ =	strace $0x8FFFFFFF  }
0x98: {  	s19 =	sld [smem:$0x3FDB];
	_ =	sdelay $0x1  }
0x99: {  	s4 =	simm.s32 $_scs_section_size  }
0x9a: {  	s5 =	simm.s32 $_size__tile_overlayer_lowered;
	s6 =	simm.s32 $_tile_overlayer_lowered  }
0x9b: {  	s22 =	simm.s32 $0x1BFF;
	s21 =	sshll.u32 s6, $0x1;
	s3 =	sadd.s32 s4, s19  }
0x9c: {  	s7 =	simm.s32 $0x0;
	s20 =	sshll.u32 s5, $0x1;
	s5 =	sadd.s32 s21, s3  }
0x9d: {  	[timem:s7], [sflag:s22] =	dma.local [hbm:s5], s20  }
0x9e: {  	_ =	swait.ge [sflag:s22], s20  }
0x9f: {  	s4 =	ssub.s32 $0x0, s20;
	[sflag:s22] =	ssyncset.done $0x0  }
0xa0: {  	[sflag:s22] =	ssyncadd.s32 s4;
	_ =	sdelay $0x1  }
0xa1: {  	s23 =	simm.s32 $0x1B8B  }
0xa2: {  	_ =	swait.ge [sflag:s23], $0x1  }
0xa3: {  	[sflag:s23] =	ssyncset.done $0x0  }
0xa4: {  	s25 =	simm.s32 $0x1B8E;
	s24 =	sld [smem:$0x3FFE];
	[sflag:s23] =	ssyncadd.s32 $0xFFFFFFFF  }
0xa5: {  	s26 =	simm.s32 $execute0_lowered;
	[smem:$0x3FD2] =	sst s25  }
0xa6: {  	s5 =	sshll.u32 s26, $0x1;
	_ =	strace $0x8000004C;
	[dreg:$0x1] =	wrdreg $0xFFFFFFFF  }
0xa7: {  	s28 =	simm.s32 $_size_execute0_lowered;
	s3 =	sadd.s32 s3, s5;
	[dreg:$0x0] =	wrdreg $0x0  }
0xa8: {  	s5 =	sshll.u32 s28, $0x1;
	[dreg:$0x2] =	wrdreg s3  }
0xa9: {  	[dreg:$0x3] =	wrdreg s5  }
0xaa: {  	[dreg:$0x4] =	wrdreg $0xC0  }
0xab: {  	_ =	task [dreg:s7], $0x5FFFF  }
0xac: {  	[dreg:$0x1] =	wrdreg $0xFFFFFFFF  }
0xad: {  	[dreg:$0x0] =	wrdreg $0x60  }
0xae: {  	[dreg:$0x2] =	wrdreg s24  }
0xaf: {  	[dreg:$0x3] =	wrdreg s2  }
0xb0: {  	[dreg:$0x4] =	wrdreg $0x9  }
0xb1: {  	_ =	task.clear_ibuf [dreg:s7], $0x5FFFF;
	_ =	strace $0x9000004C  }
0xb2: {  	s29 =	simm.s32 $0x9;
	_ =	strace $0x8000004E  }
0xb3: {  	_ =	swait.ge [sflag:s29], $0x1  }
0xb4: {  	[sflag:s29] =	ssyncadd.s32 $0xFFFFFFFF  }
0xb5: {  	_ =	strace $0x9000004E  }
0xb6: {  	_ =	sfence  }
0xb7: {  	s30 =	sld [smem:$0x0];
	_ =	sdelay $0x2  }
0xb8: {  	s31 =	sshll.u32 s1, $0xD;
	s1 =	sshrl.u32 s1, $0x2  }
0xb9: {  	s3 =	sand.u32 $0x4000, s31;
	s1 =	sadd.s32 s1, s30  }
0xba: {  	s0 =	sor.u32 s3, s0;
	s1 =	sshll.u32 s1, $0x11  }
0xbb: {  	s0 =	sor.u32 s1, s0  }
0xbc: {  	s0 =	sadd.s32 $0x8F2B, s0  }
0xbd: {  	[sflag:s0] =	ssyncadd.remote.s32 $0x1  }
0xbe: {  	_ =	sfence.sel $0xFFFF  }
0xbf: {  	[dreg:$0x0] =	wrdreg $0xFFFFFFFF;
	(pc) =	sbr.abs _section_cstart, $3  }
0xc0: {  	[dreg:$0x1] =	wrdreg $0xFFFFFFFF  }
0xc1: {  	_ =	task.clear_ibuf [dreg:s7], $0x2FFFF;
	_ =	strace $0x9FFFFFFF  }
0xc2: {  	(tm) =	ssettm $0x7FFFFFFF  }
0xc3: {  	_ =	shalt  }
tec
execute0_lowered:
.L_overlay_start_1:
0x0: {  	(tag) =	ssettag $0x1  }
0x1: {  	s4 =	rddreg [dreg:$0x0]  }
0x2: {  	s0 =	srdreg.scid;
	s5 =	rddreg [dreg:$0x1]  }
0x3: {  	s2 =	simm.s32 $0x0;
	s11 =	simm.s32 $0x2800;
	s12 =	simm.s32 $0x80  }
0x4: {  	s13 =	simm.s32 $0x400;
	s14 =	simm.s32 $0x2;
	s3 =	sand.u32 $0x1, s0  }
0x5: {  	s15 =	simm.s32 $0x0;
	s0 =	stileid.u32;
	s1 =	sshll.u32 s3, $0x4  }
0x6: {  	[smem:$0x7FF] =	sst s2;
	s8 =	sshll.u32 s0, $0x7;
	s6 =	sor.u32 s0, s1  }
0x7: {  	s31 =	ssub.s32 $0x2, s3;
	s7 =	sshrl.u32 s6, $0x3;
	s6 =	smul.u32 $0x4E2, s6  }
0x8: {  	s3 =	sadd.s32 $0x2200, s4;
	s1 =	rddreg [dreg:$0x2];
	s7 =	smul.u32 $0x14000, s7  }
0x9: {  	_ =	strace $0x8000004D;
	s8 =	sand.u32 $0x380, s8;
	s9 =	sshrl.u32 s31, $0x1  }
0xa: {  	s10 =	sadd.s32 s6, s4;
	s5 =	sadd.s32 s5, s6;
	s7 =	sor.u32 s8, s7  }
0xb: {  	s8 =	ssub.s32 s31, s9;
	s9 =	simm.s32 $0x7780;
	s7 =	sshrl.u32 s7, $0x3  }
0xc: {  	s7 =	sadd.s32 s7, s4;
	s4 =	sadd.s32 $0x16000, s10;
	s10 =	simm.s32 $0x1  }
0xd: {  	v0 =	vimm.f32 $0.0e+00;
	s6 =	sadd.s32 $0x2800, s7;
	s7 =	smax.u32 s8, $0x1;
	s8 =	simm.s32 $0x5000  }
.LBB2_1:
0xe: {  	[tilespmem:s2], [sflag:$0x1] =	stream.linear.gather [hbm4b:s3+s2], $0x2800, $0x38;
	[tilespmem:$0x9F00] =	vst v63  }
0xf: {  	_ = 	snop  }
0x10: {  	[tilespmem:s8], [sflag:$0x1] =	stream.linear.gather [hbm4b:s4+s2], $0x2710, $0x38;
	[tilespmem:$0x9F00] =	vst v63  }
0x11: {  	s16 =	simm.s32 $0x40;
	s17 =	simm.s32 $0x0  }
0x12: {  	[tilespmem:s9], [sflag:$0x1] =	stream.linear.gather [hbm4b:s5+s2], $0x2710, $0x38;
	[tilespmem:$0x9F00] =	vst v63  }
.LBB2_2:
0x13: {  	p0 =	sne.s32 s16, $0x9FC0;
	[tilespmem:s17+$0x2800] =	vst v0;
	s17 =	smov.u32 s16;
	s16 =	sadd.s32 $0x40, s16  }
.Ltmp0:
0x14: {  	(pc) =	sbr.rel @p0 .LBB2_2-.Ltmp0, $2  }
0x15: {  	_ =	sdelay $0x2  }
0x16: {  	s17 =	sshra.s32 s17, $0x2  }
0x17: {  	[tilespmem:s17+$0x2800] =	vst v0  }
0x18: {  	_ =	swait.ge [sflag:s10], $0x2800  }
0x19: {  	[sflag:s10] =	ssyncset.done $0x0  }
0x1a: {  	[sflag:s10] =	ssyncadd.s32 $0xFFFFD800  }
0x1b: {  	_ =	swait.ge [sflag:s10], $0x2710  }
0x1c: {  	[sflag:s10] =	ssyncset.done $0x0  }
0x1d: {  	[sflag:s10] =	ssyncadd.s32 $0xFFFFD8F0  }
0x1e: {  	_ =	swait.ge [sflag:s10], $0x2710  }
0x1f: {  	[sflag:s10] =	ssyncset.done $0x0  }
0x20: {  	s16 =	simm.s32 $0x5020;
	[sflag:s10] =	ssyncadd.s32 $0xFFFFD8F0  }
0x21: {  	v1 =	vld [tilespmem:s16+$0x10];
	_ =	sdelay $0x1  }
0x22: {  	v3 =	vld [tilespmem:s16+$0xFFFFFFE0]  }
0x23: {  	v2 =	vld [tilespmem:s16+$0xFFFFFFF0]  }
0x24: {  	s30 =	simm.s32 $0x77A0;
	v8 =	vld [tilespmem:s16+$0x0]  }
0x25: {  	s31 =	simm.s32 $0x5060;
	v7 =	vld [tilespmem:s30+$0x10];
	v4 =	vand.u32 $0xFFFF, v1  }
0x26: {  	v13 =	vld [tilespmem:s31+$0x10]  }
0x27: {  	v10 =	vld [tilespmem:s30+$0xFFFFFFE0];
	v6 =	vand.u32 $0xFFFF, v3  }
0x28: {  	v12 =	vld [tilespmem:s31+$0xFFFFFFF0]  }
0x29: {  	v14 =	vld [tilespmem:s31+$0x0]  }
0x2a: {  	v5 =	vand.u32 $0xFFFF, v2;
	v4 =	vld.idx.msk [tilespmem:v4+s2+$0x0], $0xffff  }
0x2b: {  	v15 =	vld [tilespmem:s31+$0xFFFFFFE0];
	v9 =	vand.u32 $0xFFFF, v8  }
0x2c: {  	v1 =	vshra.s32 v1, $0x10;
	v6 =	vld.idx.msk [tilespmem:v6+s2+$0x0], $0xffff  }
0x2d: {  	v17 =	vld [tilespmem:s30+$0x0];
	s16 =	simm.s32 $0x77E0  }
0x2e: {  	v11 =	vld [tilespmem:s16+$0x10];
	v3 =	vshra.s32 v3, $0x10  }
0x2f: {  	v5 =	vld.idx.msk [tilespmem:v5+s2+$0x0], $0xffff;
	v4 =	vmul.f32 v4, v7;
	v7 =	vand.u32 $0xFFFF, v13  }
0x30: {  	v18 =	vand.u32 $0xFFFF, v15;
	v16 =	vld.idx.msk [tilespmem:v9+s2+$0x0], $0xffff  }
0x31: {  	[tilespmem:v1+s11+$0x0] =	vst.idx.add.f32.msk $0xffff, v4;
	v1 =	vmul.f32 v6, v10  }
0x32: {  	v4 =	vld [tilespmem:s30+$0xFFFFFFF0];
	v6 =	vand.u32 $0xFFFF, v12  }
0x33: {  	v9 =	vand.u32 $0xFFFF, v14;
	[tilespmem:v3+s11+$0x0] =	vst.idx.add.f32.msk $0xffff, v1  }
0x34: {  	v10 =	vld.idx.msk [tilespmem:v7+s2+$0x0], $0xffff  }
0x35: {  	v1 =	vshra.s32 v12, $0x10;
	v12 =	vld.idx.msk [tilespmem:v18+s2+$0x0], $0xffff  }
0x36: {  	v13 =	vshra.s32 v13, $0x10;
	v3 =	vshra.s32 v2, $0x10;
	v2 =	vshra.s32 v14, $0x10;
	v14 =	vld [tilespmem:s16+$0xFFFFFFE0]  }
0x37: {  	v6 =	vld.idx.msk [tilespmem:v6+s2+$0x0], $0xffff;
	v7 =	vmul.f32 v5, v4  }
0x38: {  	s17 =	simm.s32 $0x40;
	s18 =	simm.s32 $0x50A0;
	v5 =	vld.idx.msk [tilespmem:v9+s2+$0x0], $0xffff;
	v4 =	vshra.s32 v8, $0x10;
	v9 =	vshra.s32 v15, $0x10;
	v8 =	vmul.f32 v16, v17  }
.LBB2_4:
0x39: {  	v15 =	vld [tilespmem:s18+$0x10];
	s17 =	sadd.s32 $0x40, s17;
	v10 =	vmul.f32 v10, v11  }
0x3a: {  	v11 =	vld [tilespmem:s18+$0xFFFFFFF0];
	p0 =	slt.u32 s17, $0x26C0  }
0x3b: {  	[tilespmem:v13+s11+$0x0] =	vst.idx.add.f32.msk $0xffff, v10  }
0x3c: {  	v10 =	vld [tilespmem:s18+$0x0]  }
0x3d: {  	v13 =	vld [tilespmem:s18+$0xFFFFFFE0];
	v12 =	vmul.f32 v12, v14  }
0x3e: {  	v14 =	vand.u32 $0xFFFF, v15;
	v16 =	vld [tilespmem:s16+$0xFFFFFFF0]  }
0x3f: {  	v17 =	vshra.s32 v11, $0x10;
	v18 =	vand.u32 $0xFFFF, v11;
	v19 =	vld [tilespmem:s16+$0x0]  }
0x40: {  	[tilespmem:v9+s11+$0x0] =	vst.idx.add.f32.msk $0xffff, v12  }
0x41: {  	v11 =	vshra.s32 v10, $0x10;
	v12 =	vand.u32 $0xFFFF, v10;
	[tilespmem:v3+s11+$0x0] =	vst.idx.add.f32.msk $0xffff, v7;
	v3 =	vmovc v1;
	v1 =	vmov v17  }
0x42: {  	v9 =	vshra.s32 v13, $0x10;
	v17 =	vand.u32 $0xFFFF, v13;
	[tilespmem:v4+s11+$0x0] =	vst.idx.add.f32.msk $0xffff, v8;
	v4 =	vmovc v2;
	v2 =	vmov v11  }
0x43: {  	s16 =	sadd.s32 $0x40, s16;
	v10 =	vld.idx.msk [tilespmem:v14+s2+$0x0], $0xffff;
	v7 =	vmul.f32 v6, v16  }
.Ltmp1:
0x44: {  	v11 =	vld [tilespmem:s16+$0x10];
	v8 =	vmul.f32 v5, v19;
	(pc) =	sbr.rel @p0 .LBB2_4-.Ltmp1, $4  }
0x45: {  	v6 =	vld.idx.msk [tilespmem:v18+s2+$0x0], $0xffff  }
0x46: {  	v13 =	vshra.s32 v15, $0x10;
	v5 =	vld.idx.msk [tilespmem:v12+s2+$0x0], $0xffff  }
0x47: {  	v12 =	vld.idx.msk [tilespmem:v17+s2+$0x0], $0xffff  }
0x48: {  	s18 =	sadd.s32 $0x40, s18;
	v14 =	vld [tilespmem:s16+$0xFFFFFFE0]  }
0x49: {  	_ = 	snop  }
0x4a: {  	v15 =	vld [tilespmem:s16+$0xFFFFFFF0]  }
0x4b: {  	v62 =	vld [tilespmem:s16+$0x0];
	_ =	sdelay $0x1  }
0x4c: {  	v10 =	vmul.f32 v10, v11;
	[tilespmem:v3+s11+$0x0] =	vst.idx.add.f32.msk $0xffff, v7  }
0x4d: {  	[tilespmem:v4+s11+$0x0] =	vst.idx.add.f32.msk $0xffff, v8;
	v12 =	vmul.f32 v12, v14  }
0x4e: {  	[tilespmem:v13+s11+$0x0] =	vst.idx.add.f32.msk $0xffff, v10;
	v3 =	vmul.f32 v6, v15  }
0x4f: {  	v63 =	vmul.f32 v5, v62;
	[tilespmem:v9+s11+$0x0] =	vst.idx.add.f32.msk $0xffff, v12  }
0x50: {  	[tilespmem:v1+s11+$0x0] =	vst.idx.add.f32.msk $0xffff, v3  }
0x51: {  	[tilespmem:v2+s11+$0x0] =	vst.idx.add.f32.msk $0xffff, v63  }
0x52: {  	v1 =	vld [tilespmem:$0x7700];
	_ =	sdelay $0x4  }
0x53: {  	v2 =	vand.u32 $0xFFFF, v1;
	_ =	sdelay $0x3  }
0x54: {  	v3 =	vld [tilespmem:$0x9E80]  }
0x55: {  	v2 =	vld.idx.msk [tilespmem:v2+s2+$0x0], $0xffff;
	_ =	sdelay $0x1  }
0x56: {  	v1 =	vshra.s32 v1, $0x10;
	_ =	sdelay $0x2  }
0x57: {  	s15 =	sadd.s32 $0x1, s15;
	v2 =	vmul.f32 v2, v3  }
0x58: {  	p0 =	sne.s32 s15, s7  }
.Ltmp2:
0x59: {  	[tilespmem:v1+s11+$0x0] =	vst.idx.add.f32.msk $0xffff, v2;
	(pc) =	sbr.rel @p0 .LBB2_1-.Ltmp2, $4  }
0x5a: {  	[hbm4b:s6+s12] =	stream.strided.scatter [tilespmem:s11], [sflag:$0x2], $0x2800, s13, s12, $0x38;
	[tilespmem:$0x9F00] =	vst v63  }
0x5b: {  	_ =	swait.ge [sflag:s14], $0x2800  }
0x5c: {  	[sflag:s14] =	ssyncset.done $0x0  }
0x5d: {  	[sflag:s14] =	ssyncadd.s32 $0xFFFFD800  }
0x5e: {  	_ =	sfence.sel $0x180000  }
0x5f: {  	[bflag:$0x0] =	sbarrier.arrive $0xFFFF  }
0x60: {  	p0 =	sne.s32 s0, $0x0;
	_ =	strace $0x9000004D  }
0x61: {  	s0 =	sadd.s32 @!p0 $0x100000, s1;
	[bflag:$0x2] =	sbarrier.arrive $0xFFFF  }
0x62: {  	[sflag:s0] =	ssyncadd.tile.s32 @!p0 $0x1;
	_ =	shalt  }
.Lfunc_end2:
_tile_overlayer_lowered:
.L_overlay_start_2:
0x63: {  	(tag) =	ssettag $0x2  }
0x64: {  	s0 =	rddreg [dreg:$0x0];
	s2 =	stileid.u32  }
0x65: {  	s1 =	rddreg [dreg:$0x1];
	p0 =	sne.s32 s2, $0x0  }
0x66: {  	s3 =	rddreg [dreg:$0x2];
	[bflag:$0x3] =	sbarrier.arrive $0xFFFF;
	s2 =	simm.s32 @!p0 $0x1C02  }
0x67: {  	[timem:s3], [sflag:s2] =	dma.local @!p0 [hbm:s0], s1  }
0x68: {  	s0 =	simm.s32 @!p0 $0x2  }
0x69: {  	_ =	swait.ge @!p0 [sflag:s0], s1  }
0x6a: {  	s1 =	ssub.s32 @!p0 $0x0, s1;
	[sflag:s0] =	ssyncset.done @!p0 $0x0  }
0x6b: {  	[sflag:s0] =	ssyncadd.s32 @!p0 s1  }
0x6c: {  	[bflag:$0x3] =	sbarrier.arrive $0xFFFF  }
0x6d: {  	_ =	shalt  }

// kernel: kernel.8.cloned.1.call-start
scs
__scs_entry_jumppad:
0x0: {  	(pc) =	sbr.rel $0x88, $3  }
0x1: {  	(tag) =	ssettag $0x0;
	lr =	simm.s32 $0x1  }
0x2: {  	[smem:$0x3F9A] =	sst lr;
	_ =	strace $0xD0000000  }
0x3: {  	_ = 	snop  }
0x4: {  	_ = 	snop  }
0x5: {  	_ = 	snop  }
0x6: {  	_ = 	snop  }
0x7: {  	_ = 	snop  }
__scs_overlays_trampoline_lowered:
0x8: {  	[smem:$0x3FA9] =	sst s0  }
0x9: {  	[smem:$0x3FAA] =	sst s1  }
0xa: {  	[smem:$0x3FAB] =	sst s2  }
0xb: {  	[smem:$0x3FAC] =	sst s3  }
0xc: {  	[smem:$0x3FAD] =	sst s4  }
0xd: {  	[smem:$0x3FAE] =	sst s5  }
0xe: {  	[smem:$0x3FAF] =	sst s6  }
0xf: {  	[smem:$0x3FB0] =	sst s7  }
0x10: {  	[smem:$0x3FB1] =	sst s8  }
0x11: {  	[smem:$0x3FB2] =	sst s9;
	s0 =	simm.s32 @!p0 $0x0  }
0x12: {  	s1 =	sld [smem:$0x3F98];
	s0 =	simm.s32 @p0 $0x1  }
0x13: {  	[smem:$0x3FB3] =	sst s0;
	s0 =	simm.s32 @!p1 $0x0  }
0x14: {  	s2 =	sld [smem:$0x3F97];
	s0 =	simm.s32 @p1 $0x1  }
0x15: {  	[smem:$0x3FB4] =	sst s0;
	s0 =	simm.s32 @!p2 $0x0  }
0x16: {  	s3 =	sld [smem:$0x3FDB];
	s0 =	simm.s32 @p2 $0x1  }
0x17: {  	s4 =	simm.s32 $0x1BF5;
	[smem:$0x3FB6] =	sst s0  }
0x18: {  	s0 =	sld [smem:$0x3F99];
	_ =	swait.ge [sflag:s4], $0x0  }
0x19: {  	s7 =	sld [smem:$0x3F9A]  }
0x1a: {  	s8 =	sadd.s32 $0xFFFFE003, lr  }
0x1b: {  	s9 =	sadd.s32 $0xFFFFFEF7, lr;
	s5 =	simm.s32 $0xFFFFFFFF;
	p2 =	slt.u32 s8, $0xFFFFF086  }
0x1c: {  	p1 =	slt.u32 s9, $0xF7A;
	s5 =	simm.s32 @!p2 $0x0  }
0x1d: {  	s5 =	simm.s32 @p1 $0x1;
	p0 =	seq.s32 s7, s2  }
0x1e: {  	s7 =	smul.u32 @!p0 $0xF7A, s2;
	p2 =	seq.s32 @!p0 s5, $0x0  }
0x1f: {  	s9 =	smul.u32 $0xF7A, s1;
	s8 =	simm.s32 @!p0 $0x1BF5;
	p2 =	por !p2, p0  }
0x20: {  	[sflag:s8] =	ssyncset.s32 @!p0 $0xFFFFF086;
	s6 =	sadd.s32 @!p0 s3, s7;
	s7 =	simm.s32 @!p0 $0x108  }
0x21: {  	s3 =	sadd.s32 s3, s9;
	s6 =	sadd.s32 @!p0 $0x88, s6;
	s7 =	simm.s32 @p2 $0x1082  }
0x22: {  	[simem:s7], [sflag:s8] =	dma.local @!p0 [hbm:s6], $0xF7A  }
0x23: {  	s9 =	sor.u32 $0xD0000000, s2;
	s6 =	simm.s32 $0x108;
	_ =	swait.ge @!p0 [sflag:s8], $0x0  }
0x24: {  	s3 =	sadd.s32 $0x88, s3;
	s6 =	simm.s32 @!p1 $0x1082;
	[sflag:s4] =	ssyncset.s32 $0xFFFFF086  }
0x25: {  	[simem:s6], [sflag:s4] =	dma.local [hbm:s3], $0xF7A  }
0x26: {  	[smem:$0x3F9A] =	sst s1;
	(tag) =	ssettag s2;
	_ =	strace s9  }
0x27: {  	s1 =	sld [smem:$0x3FAA]  }
0x28: {  	s2 =	sld [smem:$0x3FAB]  }
0x29: {  	s4 =	sld [smem:$0x3FAD]  }
0x2a: {  	p0 =	seq.s32 s5, $0x0;
	s5 =	sld [smem:$0x3FAE]  }
0x2b: {  	s6 =	sld [smem:$0x3FAF]  }
0x2c: {  	s7 =	sld [smem:$0x3FB0]  }
0x2d: {  	s3 =	simm.s32 $0x108;
	s8 =	sld [smem:$0x3FB1]  }
0x2e: {  	s3 =	simm.s32 @!p0 $0x1082;
	s9 =	sld [smem:$0x3FB2]  }
0x2f: {  	lr =	sadd.s32 s0, s3;
	s0 =	sld [smem:$0x3FA9]  }
0x30: {  	s3 =	sld [smem:$0x3FAC]  }
0x31: {  	[smem:$0x3FB5] =	sst s10  }
0x32: {  	s10 =	sld [smem:$0x3FB3];
	_ =	sdelay $0x3  }
0x33: {  	p0 =	seq.s32 s10, $0x1;
	s10 =	sld [smem:$0x3FB5];
	_ =	sdelay $0x3  }
0x34: {  	[smem:$0x3FB5] =	sst s10  }
0x35: {  	s10 =	sld [smem:$0x3FB4];
	_ =	sdelay $0x3  }
0x36: {  	p1 =	seq.s32 s10, $0x1;
	s10 =	sld [smem:$0x3FB5];
	_ =	sdelay $0x3  }
0x37: {  	[smem:$0x3FB5] =	sst s10  }
0x38: {  	s10 =	sld [smem:$0x3FB6]  }
0x39: {  	_ = 	snop;
	(pc) =	sbr.ind lr, $3  }
0x3a: {  	_ = 	snop  }
0x3b: {  	_ = 	snop  }
0x3c: {  	p2 =	seq.s32 s10, $0x1;
	s10 =	sld [smem:$0x3FB5]  }
0x3d: {  	_ =	shalt  }
0x3e: {  	_ =	shalt  }
0x3f: {  	_ =	shalt  }
0x40: {  	_ =	shalt  }
0x41: {  	_ =	shalt  }
0x42: {  	_ =	shalt  }
0x43: {  	_ =	shalt  }
0x44: {  	_ =	shalt  }
0x45: {  	_ =	shalt  }
0x46: {  	_ =	shalt  }
0x47: {  	_ =	shalt  }
0x48: {  	_ =	shalt  }
0x49: {  	_ =	shalt  }
0x4a: {  	_ =	shalt  }
0x4b: {  	_ =	shalt  }
0x4c: {  	_ =	shalt  }
0x4d: {  	_ =	shalt  }
0x4e: {  	_ =	shalt  }
0x4f: {  	_ =	shalt  }
0x50: {  	_ =	shalt  }
0x51: {  	_ =	shalt  }
0x52: {  	_ =	shalt  }
0x53: {  	_ =	shalt  }
0x54: {  	_ =	shalt  }
0x55: {  	_ =	shalt  }
0x56: {  	_ =	shalt  }
0x57: {  	_ =	shalt  }
0x58: {  	_ =	shalt  }
0x59: {  	_ =	shalt  }
0x5a: {  	_ =	shalt  }
0x5b: {  	_ =	shalt  }
0x5c: {  	_ =	shalt  }
0x5d: {  	_ =	shalt  }
0x5e: {  	_ =	shalt  }
0x5f: {  	_ =	shalt  }
0x60: {  	_ =	shalt  }
0x61: {  	_ =	shalt  }
0x62: {  	_ =	shalt  }
0x63: {  	_ =	shalt  }
0x64: {  	_ =	shalt  }
0x65: {  	_ =	shalt  }
0x66: {  	_ =	shalt  }
0x67: {  	_ =	shalt  }
0x68: {  	_ =	shalt  }
0x69: {  	_ =	shalt  }
0x6a: {  	_ =	shalt  }
0x6b: {  	_ =	shalt  }
0x6c: {  	_ =	shalt  }
0x6d: {  	_ =	shalt  }
0x6e: {  	_ =	shalt  }
0x6f: {  	_ =	shalt  }
0x70: {  	_ =	shalt  }
0x71: {  	_ =	shalt  }
0x72: {  	_ =	shalt  }
0x73: {  	_ =	shalt  }
0x74: {  	_ =	shalt  }
0x75: {  	_ =	shalt  }
0x76: {  	_ =	shalt  }
0x77: {  	_ =	shalt  }
0x78: {  	_ =	shalt  }
0x79: {  	_ =	shalt  }
0x7a: {  	_ =	shalt  }
0x7b: {  	_ =	shalt  }
0x7c: {  	_ =	shalt  }
0x7d: {  	_ =	shalt  }
0x7e: {  	_ =	shalt  }
0x7f: {  	_ =	shalt  }
0x80: {  	_ =	shalt  }
0x81: {  	_ =	shalt  }
0x82: {  	_ =	shalt  }
0x83: {  	_ =	shalt  }
0x84: {  	_ =	shalt  }
0x85: {  	_ =	shalt  }
0x86: {  	_ =	shalt  }
0x87: {  	_ =	shalt  }
.Lfunc_end0:
.L_simem_size_0:
called_computation_lowered:
.L_overlay_start_0:
0x88: {  	s2 =	sld [smem:$0x3FD9]  }
0x89: {  	s3 =	sld [smem:$0x3FFE];
	_ =	sdelay $0x1  }
0x8a: {  	s1 =	srdreg.scid  }
0x8b: {  	s0 =	sand.u32 $0x1, s1  }
0x8c: {  	s17 =	sshll.u32 s0, $0xA;
	s2 =	sadd.s32 s3, s2  }
0x8d: {  	s2 =	sadd.s32 s2, s17  }
0x8e: {  	[smem:$0x3FC1] =	sst s2  }
0x8f: {  	_ = 	snop  }
0x90: {  	s2 =	sld [smem:$0x3FC7];
	(tm) =	ssettm $0x1  }
0x91: {  	s18 =	sld [smem:$0x3FFB];
	_ =	sdelay $0x3  }
0x92: {  	_ =	strace s18  }
0x93: {  	s3 =	sld [smem:$0x3FFC];
	_ =	sdelay $0x3  }
0x94: {  	_ =	strace s3  }
0x95: {  	s3 =	sld [smem:$0x3FFD];
	_ =	sdelay $0x3  }
0x96: {  	_ =	strace s3  }
0x97: {  	_ =	strace $0x8FFFFFFF  }
0x98: {  	s19 =	sld [smem:$0x3FDB];
	_ =	sdelay $0x1  }
0x99: {  	s4 =	simm.s32 $_scs_section_size  }
0x9a: {  	s5 =	simm.s32 $_size__tile_overlayer_lowered;
	s6 =	simm.s32 $_tile_overlayer_lowered  }
0x9b: {  	s22 =	simm.s32 $0x1BFF;
	s21 =	sshll.u32 s6, $0x1;
	s3 =	sadd.s32 s4, s19  }
0x9c: {  	s7 =	simm.s32 $0x0;
	s20 =	sshll.u32 s5, $0x1;
	s5 =	sadd.s32 s21, s3  }
0x9d: {  	[timem:s7], [sflag:s22] =	dma.local [hbm:s5], s20  }
0x9e: {  	_ =	swait.ge [sflag:s22], s20  }
0x9f: {  	s4 =	ssub.s32 $0x0, s20;
	[sflag:s22] =	ssyncset.done $0x0  }
0xa0: {  	[sflag:s22] =	ssyncadd.s32 s4;
	_ =	sdelay $0x1  }
0xa1: {  	s23 =	simm.s32 $0x1B8B  }
0xa2: {  	_ =	swait.ge [sflag:s23], $0x1  }
0xa3: {  	[sflag:s23] =	ssyncset.done $0x0  }
0xa4: {  	s25 =	simm.s32 $0x1B8E;
	s24 =	sld [smem:$0x3FFE];
	[sflag:s23] =	ssyncadd.s32 $0xFFFFFFFF  }
0xa5: {  	s26 =	simm.s32 $execute0_lowered;
	[smem:$0x3FD2] =	sst s25  }
0xa6: {  	s5 =	sshll.u32 s26, $0x1;
	_ =	strace $0x80000046;
	[dreg:$0x1] =	wrdreg $0xFFFFFFFF  }
0xa7: {  	s28 =	simm.s32 $_size_execute0_lowered;
	s3 =	sadd.s32 s3, s5;
	[dreg:$0x0] =	wrdreg $0x0  }
0xa8: {  	s5 =	sshll.u32 s28, $0x1;
	[dreg:$0x2] =	wrdreg s3  }
0xa9: {  	[dreg:$0x3] =	wrdreg s5  }
0xaa: {  	[dreg:$0x4] =	wrdreg $0xC0  }
0xab: {  	_ =	task [dreg:s7], $0x5FFFF  }
0xac: {  	[dreg:$0x1] =	wrdreg $0xFFFFFFFF  }
0xad: {  	[dreg:$0x0] =	wrdreg $0x60  }
0xae: {  	[dreg:$0x2] =	wrdreg s24  }
0xaf: {  	[dreg:$0x3] =	wrdreg s2  }
0xb0: {  	[dreg:$0x4] =	wrdreg $0x9  }
0xb1: {  	_ =	task.clear_ibuf [dreg:s7], $0x5FFFF;
	_ =	strace $0x90000046  }
0xb2: {  	s29 =	simm.s32 $0x9;
	_ =	strace $0x80000048  }
0xb3: {  	_ =	swait.ge [sflag:s29], $0x1  }
0xb4: {  	[sflag:s29] =	ssyncadd.s32 $0xFFFFFFFF  }
0xb5: {  	_ =	strace $0x90000048  }
0xb6: {  	_ =	sfence  }
0xb7: {  	s30 =	sld [smem:$0x0];
	_ =	sdelay $0x2  }
0xb8: {  	s31 =	sshll.u32 s1, $0xD;
	s1 =	sshrl.u32 s1, $0x2  }
0xb9: {  	s3 =	sand.u32 $0x4000, s31;
	s1 =	sadd.s32 s1, s30  }
0xba: {  	s0 =	sor.u32 s3, s0;
	s1 =	sshll.u32 s1, $0x11  }
0xbb: {  	s0 =	sor.u32 s1, s0  }
0xbc: {  	s0 =	sadd.s32 $0x8F2B, s0  }
0xbd: {  	[sflag:s0] =	ssyncadd.remote.s32 $0x1  }
0xbe: {  	_ =	sfence.sel $0xFFFF  }
0xbf: {  	[dreg:$0x0] =	wrdreg $0xFFFFFFFF;
	(pc) =	sbr.abs _section_cstart, $3  }
0xc0: {  	[dreg:$0x1] =	wrdreg $0xFFFFFFFF  }
0xc1: {  	_ =	task.clear_ibuf [dreg:s7], $0x2FFFF;
	_ =	strace $0x9FFFFFFF  }
0xc2: {  	(tm) =	ssettm $0x7FFFFFFF  }
0xc3: {  	_ =	shalt  }
tec
execute0_lowered:
.L_overlay_start_1:
0x0: {  	(tag) =	ssettag $0x1  }
0x1: {  	s5 =	rddreg [dreg:$0x0]  }
0x2: {  	s0 =	srdreg.scid;
	s6 =	rddreg [dreg:$0x1];
	s2 =	simm.s32 $0x0  }
0x3: {  	s9 =	simm.s32 $0x4F00;
	s10 =	simm.s32 $0x80;
	s3 =	sand.u32 $0x1, s0  }
0x4: {  	s11 =	simm.s32 $0x400;
	s0 =	stileid.u32;
	s1 =	sshll.u32 s3, $0x4  }
0x5: {  	s12 =	simm.s32 $0x2;
	s13 =	simm.s32 $0x0;
	s4 =	sor.u32 s0, s1  }
0x6: {  	[smem:$0x7FF] =	sst s2;
	s1 =	sshrl.u32 s4, $0x3;
	s4 =	smul.u32 $0x4E2, s4  }
0x7: {  	s8 =	sshll.u32 s0, $0x7;
	s3 =	ssub.s32 $0x2, s3;
	s7 =	smul.u32 $0x14000, s1  }
0x8: {  	s8 =	sand.u32 $0x380, s8;
	s31 =	sshrl.u32 s3, $0x1;
	s1 =	rddreg [dreg:$0x2]  }
0x9: {  	_ =	strace $0x80000047;
	s30 =	sadd.s32 s4, s5;
	s7 =	sor.u32 s8, s7  }
0xa: {  	s4 =	sadd.s32 s6, s4;
	s8 =	simm.s32 $0x1;
	s7 =	sshrl.u32 s7, $0x3  }
0xb: {  	s5 =	sadd.s32 s7, s5;
	s7 =	ssub.s32 s3, s31;
	s3 =	sadd.s32 $0x2200, s30  }
0xc: {  	v0 =	vimm.f32 $0.0e+00;
	s5 =	sadd.s32 $0xC000, s5;
	s6 =	smax.u32 s7, $0x1;
	s7 =	simm.s32 $0x2780  }
.LBB2_1:
0xd: {  	[tilespmem:s2], [sflag:$0x1] =	stream.linear.gather [hbm4b:s3+s2], $0x2710, $0x38;
	[tilespmem:$0x7700] =	vst v63  }
0xe: {  	s14 =	simm.s32 $0x40;
	s15 =	simm.s32 $0x0  }
0xf: {  	[tilespmem:s7], [sflag:$0x1] =	stream.linear.gather [hbm4b:s4+s2], $0x2710, $0x38;
	[tilespmem:$0x7700] =	vst v63  }
.LBB2_2:
0x10: {  	p0 =	sne.s32 s14, $0x9FC0;
	[tilespmem:s15+$0x4F00] =	vst v0;
	s15 =	smov.u32 s14;
	s14 =	sadd.s32 $0x40, s14  }
.Ltmp0:
0x11: {  	(pc) =	sbr.rel @p0 .LBB2_2-.Ltmp0, $2  }
0x12: {  	_ =	sdelay $0x2  }
0x13: {  	s15 =	sshra.s32 s15, $0x2  }
0x14: {  	[tilespmem:s15+$0x4F00] =	vst v0  }
0x15: {  	_ =	swait.ge [sflag:s8], $0x2710  }
0x16: {  	[sflag:s8] =	ssyncset.done $0x0  }
0x17: {  	[sflag:s8] =	ssyncadd.s32 $0xFFFFD8F0  }
0x18: {  	_ =	swait.ge [sflag:s8], $0x2710  }
0x19: {  	[sflag:s8] =	ssyncset.done $0x0  }
0x1a: {  	s31 =	simm.s32 $0x20;
	[sflag:s8] =	ssyncadd.s32 $0xFFFFD8F0  }
0x1b: {  	v5 =	vld [tilespmem:s31+$0x10]  }
0x1c: {  	v6 =	vld [tilespmem:s31+$0xFFFFFFF0]  }
0x1d: {  	s14 =	simm.s32 $0x27A0;
	v1 =	vld [tilespmem:s31+$0x0]  }
0x1e: {  	v7 =	vld [tilespmem:s14+$0x10]  }
0x1f: {  	v8 =	vld [tilespmem:s14+$0xFFFFFFF0]  }
0x20: {  	v4 =	vld [tilespmem:s14+$0x0]  }
0x21: {  	v2 =	vld [tilespmem:s31+$0xFFFFFFE0]  }
0x22: {  	v3 =	vld [tilespmem:s14+$0xFFFFFFE0]  }
0x23: {  	[tilespmem:v5+s9+$0x0] =	vst.idx.add.f32.msk $0xffff, v7  }
0x24: {  	s15 =	simm.s32 $0x0;
	s16 =	simm.s32 $0x60;
	[tilespmem:v6+s9+$0x0] =	vst.idx.add.f32.msk $0xffff, v8  }
.LBB2_4:
0x25: {  	v5 =	vld [tilespmem:s16+$0x10];
	s15 =	sadd.s32 $0x40, s15;
	v6 =	vmov v4  }
0x26: {  	v7 =	vld [tilespmem:s16+$0xFFFFFFF0];
	p0 =	slt.u32 s15, $0x26C0  }
0x27: {  	s14 =	sadd.s32 $0x40, s14;
	v8 =	vld [tilespmem:s16+$0x0]  }
0x28: {  	v9 =	vld [tilespmem:s14+$0x10]  }
0x29: {  	v10 =	vld [tilespmem:s16+$0xFFFFFFE0]  }
0x2a: {  	v11 =	vld [tilespmem:s14+$0xFFFFFFE0]  }
0x2b: {  	v12 =	vld [tilespmem:s14+$0xFFFFFFF0]  }
.Ltmp1:
0x2c: {  	v4 =	vld [tilespmem:s14+$0x0];
	(pc) =	sbr.rel @p0 .LBB2_4-.Ltmp1, $4  }
0x2d: {  	[tilespmem:v5+s9+$0x0] =	vst.idx.add.f32.msk $0xffff, v9  }
0x2e: {  	[tilespmem:v2+s9+$0x0] =	vst.idx.add.f32.msk $0xffff, v3;
	v2 =	vmov v10  }
0x2f: {  	[tilespmem:v1+s9+$0x0] =	vst.idx.add.f32.msk $0xffff, v6;
	v1 =	vmov v8;
	v3 =	vmov v11  }
0x30: {  	s16 =	sadd.s32 $0x40, s16;
	[tilespmem:v7+s9+$0x0] =	vst.idx.add.f32.msk $0xffff, v12  }
0x31: {  	_ =	sdelay $0x3  }
0x32: {  	[tilespmem:v2+s9+$0x0] =	vst.idx.add.f32.msk $0xffff, v3  }
0x33: {  	[tilespmem:v1+s9+$0x0] =	vst.idx.add.f32.msk $0xffff, v4  }
0x34: {  	v1 =	vld [tilespmem:$0x2700];
	_ =	sdelay $0x2  }
0x35: {  	v2 =	vld [tilespmem:$0x4E80];
	_ =	sdelay $0x2  }
0x36: {  	s13 =	sadd.s32 $0x1, s13  }
0x37: {  	p0 =	sne.s32 s13, s6  }
.Ltmp2:
0x38: {  	[tilespmem:v1+s9+$0x0] =	vst.idx.add.f32.msk $0xffff, v2;
	(pc) =	sbr.rel @p0 .LBB2_1-.Ltmp2, $4  }
0x39: {  	[hbm4b:s5+s10] =	stream.strided.scatter [tilespmem:s9], [sflag:$0x2], $0x2800, s11, s10, $0x38;
	[tilespmem:$0x7700] =	vst v63  }
0x3a: {  	_ =	swait.ge [sflag:s12], $0x2800  }
0x3b: {  	[sflag:s12] =	ssyncset.done $0x0  }
0x3c: {  	[sflag:s12] =	ssyncadd.s32 $0xFFFFD800  }
0x3d: {  	_ =	sfence.sel $0x180000  }
0x3e: {  	[bflag:$0x0] =	sbarrier.arrive $0xFFFF  }
0x3f: {  	p0 =	sne.s32 s0, $0x0;
	_ =	strace $0x90000047  }
0x40: {  	s0 =	sadd.s32 @!p0 $0x100000, s1;
	[bflag:$0x2] =	sbarrier.arrive $0xFFFF  }
0x41: {  	[sflag:s0] =	ssyncadd.tile.s32 @!p0 $0x1;
	_ =	shalt  }
.Lfunc_end2:
_tile_overlayer_lowered:
.L_overlay_start_2:
0x42: {  	(tag) =	ssettag $0x2  }
0x43: {  	s0 =	rddreg [dreg:$0x0];
	s2 =	stileid.u32  }
0x44: {  	s1 =	rddreg [dreg:$0x1];
	p0 =	sne.s32 s2, $0x0  }
0x45: {  	s3 =	rddreg [dreg:$0x2];
	[bflag:$0x3] =	sbarrier.arrive $0xFFFF;
	s2 =	simm.s32 @!p0 $0x1C02  }
0x46: {  	[timem:s3], [sflag:s2] =	dma.local @!p0 [hbm:s0], s1  }
0x47: {  	s0 =	simm.s32 @!p0 $0x2  }
0x48: {  	_ =	swait.ge @!p0 [sflag:s0], s1  }
0x49: {  	s1 =	ssub.s32 @!p0 $0x0, s1;
	[sflag:s0] =	ssyncset.done @!p0 $0x0  }
0x4a: {  	[sflag:s0] =	ssyncadd.s32 @!p0 s1  }
0x4b: {  	[bflag:$0x3] =	sbarrier.arrive $0xFFFF  }
0x4c: {  	_ =	shalt  }

</sc_bundles>
